<compile_context>
chip_gen: v7x
topology: tpu7x:2x2x1
jax: 0.10.2.dev20260603
libtpu: 0.0.44.dev20260713+nightly
codegen_flags: <defaults>
</compile_context>

<pallas_src>
import functools

import jax
import jax.numpy as jnp
from jax import lax
from jax.experimental import pallas as pl
from jax.experimental.pallas import tpu as pltpu
from jax.experimental.pallas import tpu_sc as plsc

N = 10000
E = 320000
D = 128
G = 64
NP = 10240
RB = 640
GRID = NP // RB
NC = 2
NS = 16
TILES = NC * NS
CHUNK = 128
CH = 80
EPT = CH * CHUNK
EP = TILES * EPT
EPS = 1e-5

_f32 = jnp.float32


@functools.lru_cache(maxsize=None)
def _sc_mesh():
    return plsc.VectorSubcoreMesh(core_axis_name="c", subcore_axis_name="s",
                                  num_cores=NC, num_subcores=NS)


def _sc_degree(dst_hbm, init_hbm, out_hbm, dst_v, ones_v, deg_sh):
    cid = lax.axis_index("c")
    sid = lax.axis_index("s")
    w = cid * NS + sid
    pltpu.sync_copy(dst_hbm.at[pl.ds(w * CH, CH)], dst_v)
    for k in range(8):
        ones_v[pl.ds(16 * k, 16)] = jnp.ones((16,), _f32)
    pltpu.sync_copy(init_hbm.at[pl.ds(sid * RB, RB)],
                    deg_sh.at[pl.ds(sid * RB, RB)])
    plsc.subcore_barrier()

    def body(j, carry):
        pltpu.sync_copy(ones_v, deg_sh.at[dst_v.at[j]], add=True)
        return carry

    lax.fori_loop(0, CH, body, 0)
    plsc.subcore_barrier()
    pltpu.sync_copy(deg_sh.at[pl.ds(sid * RB, RB)],
                    out_hbm.at[pl.ds(cid * NP + sid * RB, RB)])


@functools.lru_cache(maxsize=None)
def _degree_call():
    return pl.kernel(
        _sc_degree,
        out_type=jax.ShapeDtypeStruct((NC * NP,), _f32),
        mesh=_sc_mesh(),
        scratch_types=[
            pltpu.VMEM((CH, CHUNK), jnp.int32),
            pltpu.VMEM((CHUNK,), _f32),
            pltpu.VMEM_SHARED((NP,), _f32),
        ],
    )


def _sc_aggregate(m_hbm, src_hbm, dst_hbm, zeros_hbm, out_hbm,
                  src_v, dst_v, rows_v, sem, agg_sh):
    cid = lax.axis_index("c")
    sid = lax.axis_index("s")
    w = cid * NS + sid
    pltpu.sync_copy(src_hbm.at[pl.ds(w * CH, CH)], src_v)
    pltpu.sync_copy(dst_hbm.at[pl.ds(w * CH, CH)], dst_v)
    pltpu.sync_copy(zeros_hbm, agg_sh.at[pl.ds(sid * RB, RB)])
    plsc.subcore_barrier()

    def body(j, carry):
        pltpu.async_copy(m_hbm.at[src_v.at[j]], rows_v, sem).wait()
        pltpu.sync_copy(rows_v, agg_sh.at[dst_v.at[j]], add=True)
        return carry

    lax.fori_loop(0, CH, body, 0)
    plsc.subcore_barrier()
    pltpu.sync_copy(agg_sh.at[pl.ds(sid * RB, RB)],
                    out_hbm.at[pl.ds(cid * NP + sid * RB, RB)])


@functools.lru_cache(maxsize=None)
def _aggregate_call():
    return pl.kernel(
        _sc_aggregate,
        out_type=jax.ShapeDtypeStruct((NC * NP, D), _f32),
        mesh=_sc_mesh(),
        scratch_types=[
            pltpu.VMEM((CH, CHUNK), jnp.int32),
            pltpu.VMEM((CH, CHUNK), jnp.int32),
            pltpu.VMEM((CHUNK, D), _f32),
            pltpu.SemaphoreType.DMA,
            pltpu.VMEM_SHARED((NP, D), _f32),
        ],
    )


def _dinv(da_ref, db_ref):
    d = da_ref[...] + db_ref[...]
    return jnp.where(d > 0.0, lax.rsqrt(jnp.maximum(d, 1e-20)), 0.0)


def _tc_scale_matmul(x_ref, w_ref, da_ref, db_ref, o_ref):
    h = jnp.dot(x_ref[...], w_ref[...], preferred_element_type=_f32)
    o_ref[...] = h * _dinv(da_ref, db_ref)


def _scale_matmul(x, w, da, db):
    return pl.pallas_call(
        _tc_scale_matmul,
        grid=(GRID,),
        in_specs=[
            pl.BlockSpec((RB, D), lambda i: (i, 0)),
            pl.BlockSpec((D, D), lambda i: (0, 0)),
            pl.BlockSpec((RB, 1), lambda i: (i, 0)),
            pl.BlockSpec((RB, 1), lambda i: (i, 0)),
        ],
        out_specs=pl.BlockSpec((RB, D), lambda i: (i, 0)),
        out_shape=jax.ShapeDtypeStruct((NP, D), _f32),
    )(x, w, da, db)


def _tc_post_stats(aa_ref, ab_ref, m_ref, da_ref, db_ref, b_ref,
                   t_ref, st_ref, acc):
    i = pl.program_id(0)
    t = (aa_ref[...] + ab_ref[...] + m_ref[...]) * _dinv(da_ref, db_ref) \
        + b_ref[...]
    t_ref[...] = t
    rows = i * RB + lax.broadcasted_iota(jnp.int32, (RB, 1), 0)
    tm = jnp.where(rows < N, t, 0.0)

    @pl.when(i == 0)
    def _():
        acc[...] = jnp.zeros((2, D), _f32)

    acc[0:1, :] += jnp.sum(tm, axis=0, keepdims=True)
    acc[1:2, :] += jnp.sum(tm * tm, axis=0, keepdims=True)

    @pl.when(i == GRID - 1)
    def _():
        mean = acc[0:1, :] / N
        var = acc[1:2, :] / N - mean * mean
        st_ref[...] = jnp.concatenate([mean, var], axis=0)


def _post_stats(aa, ab, m, da, db, b):
    return pl.pallas_call(
        _tc_post_stats,
        grid=(GRID,),
        in_specs=[
            pl.BlockSpec((RB, D), lambda i: (i, 0)),
            pl.BlockSpec((RB, D), lambda i: (i, 0)),
            pl.BlockSpec((RB, D), lambda i: (i, 0)),
            pl.BlockSpec((RB, 1), lambda i: (i, 0)),
            pl.BlockSpec((RB, 1), lambda i: (i, 0)),
            pl.BlockSpec((1, D), lambda i: (0, 0)),
        ],
        out_specs=[
            pl.BlockSpec((RB, D), lambda i: (i, 0)),
            pl.BlockSpec((2, D), lambda i: (0, 0)),
        ],
        out_shape=[
            jax.ShapeDtypeStruct((NP, D), _f32),
            jax.ShapeDtypeStruct((2, D), _f32),
        ],
        scratch_shapes=[pltpu.VMEM((2, D), _f32)],
    )(aa, ab, m, da, db, b)


def _bn_relu(t, st_ref, g_ref, bt_ref):
    mean = st_ref[0:1, :]
    var = st_ref[1:2, :]
    h = g_ref[...] * (t - mean) * lax.rsqrt(var + EPS) + bt_ref[...]
    return jnp.maximum(h, 0.0)


def _tc_bn_matmul(t_ref, st_ref, g_ref, bt_ref, w_ref, da_ref, db_ref,
                  o_ref):
    i = pl.program_id(0)
    h = _bn_relu(t_ref[...], st_ref, g_ref, bt_ref)
    rows = i * RB + lax.broadcasted_iota(jnp.int32, (RB, 1), 0)
    h = jnp.where(rows < N, h, 0.0)
    o_ref[...] = jnp.dot(h, w_ref[...], preferred_element_type=_f32) \
        * _dinv(da_ref, db_ref)


def _bn_matmul(t, st, g, bt, w, da, db):
    return pl.pallas_call(
        _tc_bn_matmul,
        grid=(GRID,),
        in_specs=[
            pl.BlockSpec((RB, D), lambda i: (i, 0)),
            pl.BlockSpec((2, D), lambda i: (0, 0)),
            pl.BlockSpec((1, D), lambda i: (0, 0)),
            pl.BlockSpec((1, D), lambda i: (0, 0)),
            pl.BlockSpec((D, D), lambda i: (0, 0)),
            pl.BlockSpec((RB, 1), lambda i: (i, 0)),
            pl.BlockSpec((RB, 1), lambda i: (i, 0)),
        ],
        out_specs=pl.BlockSpec((RB, D), lambda i: (i, 0)),
        out_shape=jax.ShapeDtypeStruct((NP, D), _f32),
    )(t, st, g, bt, w, da, db)


def _tc_pool(t_ref, st_ref, g_ref, bt_ref, b_ref, o_ref, acc_s, acc_c):
    i = pl.program_id(0)
    h = _bn_relu(t_ref[...], st_ref, g_ref, bt_ref)
    ids = b_ref[0]
    gi = lax.broadcasted_iota(jnp.int32, (G, 1), 0)
    oh = (ids == gi).astype(_f32)

    @pl.when(i == 0)
    def _():
        acc_s[...] = jnp.zeros((G, D), _f32)
        acc_c[...] = jnp.zeros((G, D), _f32)

    acc_s[...] += jnp.dot(oh, h, preferred_element_type=_f32)
    acc_c[...] += jnp.sum(oh, axis=1, keepdims=True)

    @pl.when(i == GRID - 1)
    def _():
        o_ref[...] = acc_s[...] / jnp.maximum(acc_c[...], 1.0)


def _pool(t, st, g, bt, batch3d):
    return pl.pallas_call(
        _tc_pool,
        grid=(GRID,),
        in_specs=[
            pl.BlockSpec((RB, D), lambda i: (i, 0)),
            pl.BlockSpec((2, D), lambda i: (0, 0)),
            pl.BlockSpec((1, D), lambda i: (0, 0)),
            pl.BlockSpec((1, D), lambda i: (0, 0)),
            pl.BlockSpec((1, 1, RB), lambda i: (i, 0, 0)),
        ],
        out_specs=pl.BlockSpec((G, D), lambda i: (0, 0)),
        out_shape=jax.ShapeDtypeStruct((G, D), _f32),
        scratch_shapes=[pltpu.VMEM((G, D), _f32), pltpu.VMEM((G, D), _f32)],
    )(t, st, g, bt, batch3d)


def kernel(x, edge_index, batch, W1, b1, gamma1, beta1, W2, b2, gamma2,
           beta2):
    src = edge_index[0].astype(jnp.int32)
    dst = edge_index[1].astype(jnp.int32)
    padi = jnp.full((EP - E,), N, jnp.int32)
    srcp = jnp.concatenate([src, padi]).reshape(TILES * CH, CHUNK)
    dstp = jnp.concatenate([dst, padi]).reshape(TILES * CH, CHUNK)

    xp = jnp.zeros((NP, D), _f32).at[:N].set(x)
    zeros_blk = jnp.zeros((RB, D), _f32)
    deg_init = jnp.zeros((NP,), _f32).at[:N].set(0.5)
    batch3d = jnp.full((NP,), 127, jnp.int32).at[:N]\
        .set(batch.astype(jnp.int32)).reshape(GRID, 1, RB)
    b1r = b1.reshape(1, D)
    b2r = b2.reshape(1, D)
    g1r = gamma1.reshape(1, D)
    g2r = gamma2.reshape(1, D)
    bt1r = beta1.reshape(1, D)
    bt2r = beta2.reshape(1, D)

    deg = _degree_call()(dstp, deg_init)
    da = deg[:NP].reshape(NP, 1)
    db = deg[NP:].reshape(NP, 1)

    m1 = _scale_matmul(xp, W1, da, db)
    agg1 = _aggregate_call()(m1, srcp, dstp, zeros_blk)
    t1, st1 = _post_stats(agg1[:NP], agg1[NP:], m1, da, db, b1r)

    m2 = _bn_matmul(t1, st1, g1r, bt1r, W2, da, db)
    agg2 = _aggregate_call()(m2, srcp, dstp, zeros_blk)
    t2, st2 = _post_stats(agg2[:NP], agg2[NP:], m2, da, db, b2r)

    return _pool(t2, st2, g2r, bt2r, batch3d)

# --- scband reference (transcript-rebuilt; emitter-appended) ---
"""Pipeline reference for scband-flexible-gnnencoder-28845000360070 (READ-ONLY COPY).

The authoritative reference and input builder live on the scoring server;
editing this copy changes nothing except your own understanding.
"""

import jax, jax.numpy as jnp
import numpy as np

N = 10000
E = 320000
D = 128
HD = 128
G = 64

def setup_inputs(seed: int = 0):
    key = jax.random.key(seed)
    ks = jax.random.split(key, 8)
    x = jax.random.normal(ks[0], (N, D), dtype=jnp.float32)
    edge_index = jax.random.randint(ks[1], (2, E), 0, N)
    batch = jnp.sort(jax.random.randint(ks[2], (N,), 0, G))
    s1 = 1.0 / np.sqrt(D)
    W1 = jax.random.uniform(ks[3], (D, HD), minval=-s1, maxval=s1, dtype=jnp.float32)
    b1 = jnp.zeros((HD,), jnp.float32)
    gamma1 = jnp.ones((HD,), jnp.float32)
    beta1 = jnp.zeros((HD,), jnp.float32)
    s2 = 1.0 / np.sqrt(HD)
    W2 = jax.random.uniform(ks[4], (HD, HD), minval=-s2, maxval=s2, dtype=jnp.float32)
    b2 = jnp.zeros((HD,), jnp.float32)
    gamma2 = jnp.ones((HD,), jnp.float32)
    beta2 = jnp.zeros((HD,), jnp.float32)
    return {"x": x, "edge_index": edge_index, "batch": batch,
            "W1": W1, "b1": b1, "gamma1": gamma1, "beta1": beta1,
            "W2": W2, "b2": b2, "gamma2": gamma2, "beta2": beta2}

def _gcn_conv(x, W, b, src, dst, n):
    # PyG GCNConv: add self-loops, symmetric normalization D^-1/2 (A+I) D^-1/2 X W + b
    h = x @ W
    loop = jnp.arange(n, dtype=src.dtype)
    src2 = jnp.concatenate([src, loop])
    dst2 = jnp.concatenate([dst, loop])
    ones = jnp.ones(src2.shape[0], dtype=x.dtype)
    deg = jax.ops.segment_sum(ones, dst2, num_segments=n)
    dinv = jnp.where(deg > 0, 1.0 / jnp.sqrt(deg), 0.0)
    norm = dinv[src2] * dinv[dst2]
    msg = h[src2] * norm[:, None]
    out = jax.ops.segment_sum(msg, dst2, num_segments=n)
    return out + b

def _bn(x, gamma, beta, eps=1e-5):
    mu = jnp.mean(x, axis=0)
    var = jnp.var(x, axis=0)
    return gamma * (x - mu) / jnp.sqrt(var + eps) + beta

def reference(x, edge_index, batch, W1, b1, gamma1, beta1, W2, b2, gamma2, beta2):
    src = edge_index[0]
    dst = edge_index[1]
    h = _gcn_conv(x, W1, b1, src, dst, N)
    h = jax.nn.relu(_bn(h, gamma1, beta1))
    h = _gcn_conv(h, W2, b2, src, dst, N)
    h = jax.nn.relu(_bn(h, gamma2, beta2))
    # global_mean_pool over graph ids
    sums = jax.ops.segment_sum(h, batch, num_segments=G)
    cnts = jax.ops.segment_sum(jnp.ones((N,), h.dtype), batch, num_segments=G)
    return sums / jnp.maximum(cnts, 1.0)[:, None]

if __name__ == "__main__":
    import jax
    _d = setup_inputs()
    print(jax.jit(kernel)(*tuple(_d.values())))

</pallas_src>

<mosaic_0001>
#map = affine_map<(d0, d1) -> (0, 0)>
#map1 = affine_map<(d0, d1) -> (0)>
module attributes {stable_mosaic.version = 14 : i64} {
  func.func @_sc_degree(%arg0: i32, %arg1: i32, %arg2: memref<2560x128xi32, #tpu.memory_space<hbm>>, %arg3: memref<10240xf32, #tpu.memory_space<hbm>>, %arg4: memref<20480xf32, #tpu.memory_space<hbm>>, %arg5: memref<80x128xi32, #tpu.memory_space<vmem>>, %arg6: memref<128xf32, #tpu.memory_space<vmem>>, %arg7: memref<10240xf32, #tpu.memory_space<vmem_shared>>) attributes {dimension_semantics = [#tpu.dimension_semantics<core_parallel>, #tpu.dimension_semantics<subcore_parallel>], iteration_bounds = array<i64: 2, 16>, scalar_prefetch = 0 : i64, scratch_operands = 3 : i64, tpu.core_type = #tpu.core_type<sc_vector_subcore>, window_params = [{transform_indices = #map}, {transform_indices = #map1}, {transform_indices = #map1}]} {
    %mul3A = arith.constant 16 : i32
    %mul3A_0 = arith.muli %arg0, %mul3A : i32
    %add3A = arith.addi %mul3A_0, %arg1 : i32
    %mul3A_1 = arith.constant 80 : i32
    %mul3A_2 = arith.muli %add3A, %mul3A_1 : i32
    "tpu.region"() ({
      %run_scoped3A = tpu.sem_alloc : memref<!tpu.dma_semaphore, #tpu.memory_space<semaphore_mem>>
      %dma_start3A = arith.constant 0 : i32
      %dma_start3A_66 = tpu.memref_slice %arg2[%mul3A_2, %dma_start3A] : memref<2560x128xi32, #tpu.memory_space<hbm>> -> memref<80x128xi32, #tpu.memory_space<hbm>>
      %dma_start3A_67 = arith.constant 0 : i32
      %dma_start3A_68 = tpu.memref_slice %arg2[%mul3A_2, %dma_start3A_67] : memref<2560x128xi32, #tpu.memory_space<hbm>> -> memref<80x128xi32, #tpu.memory_space<hbm>>
      tpu.enqueue_dma source(%dma_start3A_68 : memref<80x128xi32, #tpu.memory_space<hbm>>) target(%arg5 : memref<80x128xi32, #tpu.memory_space<vmem>>) target_semaphore(%run_scoped3A : memref<!tpu.dma_semaphore, #tpu.memory_space<semaphore_mem>>)
      %dma_wait3A = arith.constant 0 : i32
      %dma_wait3A_69 = tpu.memref_slice %arg2[%mul3A_2, %dma_wait3A] : memref<2560x128xi32, #tpu.memory_space<hbm>> -> memref<80x128xi32, #tpu.memory_space<hbm>>
      %dma_wait3A_70 = arith.constant 0 : i32
      %dma_wait3A_71 = tpu.memref_slice %arg2[%mul3A_2, %dma_wait3A_70] : memref<2560x128xi32, #tpu.memory_space<hbm>> -> memref<80x128xi32, #tpu.memory_space<hbm>>
      tpu.wait_dma2 semaphore(%run_scoped3A : memref<!tpu.dma_semaphore, #tpu.memory_space<semaphore_mem>>) src(%dma_wait3A_71 : memref<80x128xi32, #tpu.memory_space<hbm>>) dst(%arg5 : memref<80x128xi32, #tpu.memory_space<vmem>>)
      tpu.yield
    }) : () -> ()
    %broadcast_in_dim3A = arith.constant 1.000000e+00 : f32
    %broadcast_in_dim3A_3 = vector.broadcast %broadcast_in_dim3A : f32 to vector<16xf32>
    %swap3A = arith.constant 0 : index
    %swap3A_4 = tpu.vector_load %arg6[%swap3A] {strides = array<i32>} : memref<128xf32, #tpu.memory_space<vmem>>, vector<16xf32>,
    %swap3A_5 = vector.shape_cast %swap3A_4 : vector<16xf32> to vector<16xf32>
    %swap3A_6 = vector.shape_cast %broadcast_in_dim3A_3 : vector<16xf32> to vector<16xf32>
    tpu.vector_store %arg6[%swap3A], %swap3A_6 {strides = array<i32>} : memref<128xf32, #tpu.memory_space<vmem>>, vector<16xf32>,
    %broadcast_in_dim3A_7 = arith.constant 1.000000e+00 : f32
    %broadcast_in_dim3A_8 = vector.broadcast %broadcast_in_dim3A_7 : f32 to vector<16xf32>
    %swap3A_9 = arith.constant 16 : index
    %swap3A_10 = tpu.vector_load %arg6[%swap3A_9] {strides = array<i32>} : memref<128xf32, #tpu.memory_space<vmem>>, vector<16xf32>,
    %swap3A_11 = vector.shape_cast %swap3A_10 : vector<16xf32> to vector<16xf32>
    %swap3A_12 = vector.shape_cast %broadcast_in_dim3A_8 : vector<16xf32> to vector<16xf32>
    tpu.vector_store %arg6[%swap3A_9], %swap3A_12 {strides = array<i32>} : memref<128xf32, #tpu.memory_space<vmem>>, vector<16xf32>,
    %broadcast_in_dim3A_13 = arith.constant 1.000000e+00 : f32
    %broadcast_in_dim3A_14 = vector.broadcast %broadcast_in_dim3A_13 : f32 to vector<16xf32>
    %swap3A_15 = arith.constant 32 : index
    %swap3A_16 = tpu.vector_load %arg6[%swap3A_15] {strides = array<i32>} : memref<128xf32, #tpu.memory_space<vmem>>, vector<16xf32>,
    %swap3A_17 = vector.shape_cast %swap3A_16 : vector<16xf32> to vector<16xf32>
    %swap3A_18 = vector.shape_cast %broadcast_in_dim3A_14 : vector<16xf32> to vector<16xf32>
    tpu.vector_store %arg6[%swap3A_15], %swap3A_18 {strides = array<i32>} : memref<128xf32, #tpu.memory_space<vmem>>, vector<16xf32>,
    %broadcast_in_dim3A_19 = arith.constant 1.000000e+00 : f32
    %broadcast_in_dim3A_20 = vector.broadcast %broadcast_in_dim3A_19 : f32 to vector<16xf32>
    %swap3A_21 = arith.constant 48 : index
    %swap3A_22 = tpu.vector_load %arg6[%swap3A_21] {strides = array<i32>} : memref<128xf32, #tpu.memory_space<vmem>>, vector<16xf32>,
    %swap3A_23 = vector.shape_cast %swap3A_22 : vector<16xf32> to vector<16xf32>
    %swap3A_24 = vector.shape_cast %broadcast_in_dim3A_20 : vector<16xf32> to vector<16xf32>
    tpu.vector_store %arg6[%swap3A_21], %swap3A_24 {strides = array<i32>} : memref<128xf32, #tpu.memory_space<vmem>>, vector<16xf32>,
    %broadcast_in_dim3A_25 = arith.constant 1.000000e+00 : f32
    %broadcast_in_dim3A_26 = vector.broadcast %broadcast_in_dim3A_25 : f32 to vector<16xf32>
    %swap3A_27 = arith.constant 64 : index
    %swap3A_28 = tpu.vector_load %arg6[%swap3A_27] {strides = array<i32>} : memref<128xf32, #tpu.memory_space<vmem>>, vector<16xf32>,
    %swap3A_29 = vector.shape_cast %swap3A_28 : vector<16xf32> to vector<16xf32>
    %swap3A_30 = vector.shape_cast %broadcast_in_dim3A_26 : vector<16xf32> to vector<16xf32>
    tpu.vector_store %arg6[%swap3A_27], %swap3A_30 {strides = array<i32>} : memref<128xf32, #tpu.memory_space<vmem>>, vector<16xf32>,
    %broadcast_in_dim3A_31 = arith.constant 1.000000e+00 : f32
    %broadcast_in_dim3A_32 = vector.broadcast %broadcast_in_dim3A_31 : f32 to vector<16xf32>
    %swap3A_33 = arith.constant 80 : index
    %swap3A_34 = tpu.vector_load %arg6[%swap3A_33] {strides = array<i32>} : memref<128xf32, #tpu.memory_space<vmem>>, vector<16xf32>,
    %swap3A_35 = vector.shape_cast %swap3A_34 : vector<16xf32> to vector<16xf32>
    %swap3A_36 = vector.shape_cast %broadcast_in_dim3A_32 : vector<16xf32> to vector<16xf32>
    tpu.vector_store %arg6[%swap3A_33], %swap3A_36 {strides = array<i32>} : memref<128xf32, #tpu.memory_space<vmem>>, vector<16xf32>,
    %broadcast_in_dim3A_37 = arith.constant 1.000000e+00 : f32
    %broadcast_in_dim3A_38 = vector.broadcast %broadcast_in_dim3A_37 : f32 to vector<16xf32>
    %swap3A_39 = arith.constant 96 : index
    %swap3A_40 = tpu.vector_load %arg6[%swap3A_39] {strides = array<i32>} : memref<128xf32, #tpu.memory_space<vmem>>, vector<16xf32>,
    %swap3A_41 = vector.shape_cast %swap3A_40 : vector<16xf32> to vector<16xf32>
    %swap3A_42 = vector.shape_cast %broadcast_in_dim3A_38 : vector<16xf32> to vector<16xf32>
    tpu.vector_store %arg6[%swap3A_39], %swap3A_42 {strides = array<i32>} : memref<128xf32, #tpu.memory_space<vmem>>, vector<16xf32>,
    %broadcast_in_dim3A_43 = arith.constant 1.000000e+00 : f32
    %broadcast_in_dim3A_44 = vector.broadcast %broadcast_in_dim3A_43 : f32 to vector<16xf32>
    %swap3A_45 = arith.constant 112 : index
    %swap3A_46 = tpu.vector_load %arg6[%swap3A_45] {strides = array<i32>} : memref<128xf32, #tpu.memory_space<vmem>>, vector<16xf32>,
    %swap3A_47 = vector.shape_cast %swap3A_46 : vector<16xf32> to vector<16xf32>
    %swap3A_48 = vector.shape_cast %broadcast_in_dim3A_44 : vector<16xf32> to vector<16xf32>
    tpu.vector_store %arg6[%swap3A_45], %swap3A_48 {strides = array<i32>} : memref<128xf32, #tpu.memory_space<vmem>>, vector<16xf32>,
    %mul3A_49 = arith.constant 640 : i32
    %mul3A_50 = arith.muli %arg1, %mul3A_49 : i32
    %mul3A_51 = arith.constant 640 : i32
    %mul3A_52 = arith.muli %arg1, %mul3A_51 : i32
    "tpu.region"() ({
      %run_scoped3A = tpu.sem_alloc : memref<!tpu.dma_semaphore, #tpu.memory_space<semaphore_mem>>
      %dma_start3A = tpu.memref_slice %arg7[%mul3A_52] : memref<10240xf32, #tpu.memory_space<vmem_shared>> -> memref<640xf32, #tpu.memory_space<vmem_shared>>
      %dma_start3A_66 = tpu.memref_slice %arg3[%mul3A_50] : memref<10240xf32, #tpu.memory_space<hbm>> -> memref<640xf32, #tpu.memory_space<hbm>>
      tpu.enqueue_dma source(%dma_start3A_66 : memref<640xf32, #tpu.memory_space<hbm>>) target(%dma_start3A : memref<640xf32, #tpu.memory_space<vmem_shared>>) target_semaphore(%run_scoped3A : memref<!tpu.dma_semaphore, #tpu.memory_space<semaphore_mem>>)
      %dma_wait3A = tpu.memref_slice %arg7[%mul3A_52] : memref<10240xf32, #tpu.memory_space<vmem_shared>> -> memref<640xf32, #tpu.memory_space<vmem_shared>>
      %dma_wait3A_67 = tpu.memref_slice %arg3[%mul3A_50] : memref<10240xf32, #tpu.memory_space<hbm>> -> memref<640xf32, #tpu.memory_space<hbm>>
      tpu.wait_dma2 semaphore(%run_scoped3A : memref<!tpu.dma_semaphore, #tpu.memory_space<semaphore_mem>>) src(%dma_wait3A_67 : memref<640xf32, #tpu.memory_space<hbm>>) dst(%dma_wait3A : memref<640xf32, #tpu.memory_space<vmem_shared>>)
      tpu.yield
    }) : () -> ()
    %barrier3A = arith.constant 0 : index
    tpu.barrier barrier_id(%barrier3A)
    %scan3A = arith.constant 0 : i32
    %scan3A_53 = arith.constant 0 : i32
    %scan3A_54 = arith.constant 80 : i32
    %scan3A_55 = arith.addi %scan3A_53, %scan3A_54 : i32
    %scan3A_56 = arith.constant 1 : i32
    scf.for %scan3A_66 = %scan3A_53 to %scan3A_55 step %scan3A_56  : i32 {
      "tpu.region"() ({
        %run_scoped3A = tpu.sem_alloc : memref<!tpu.dma_semaphore, #tpu.memory_space<semaphore_mem>>
        %dma_start3A = arith.constant 0 : i32
        %dma_start3A_67 = tpu.memref_slice %arg5[%scan3A_66, %dma_start3A] : memref<80x128xi32, #tpu.memory_space<vmem>> -> memref<1x128xi32, #tpu.memory_space<vmem>>
        %dma_start3A_68 = tpu.memref_squeeze %dma_start3A_67 : memref<1x128xi32, #tpu.memory_space<vmem>> -> memref<128xi32, #tpu.memory_space<vmem>>
        %dma_start3A_69 = arith.constant 0 : i32
        %dma_start3A_70 = tpu.memref_slice %arg7[%dma_start3A_69] : memref<10240xf32, #tpu.memory_space<vmem_shared>> -> memref<10240xf32, #tpu.memory_space<vmem_shared>>
        tpu.enqueue_indirect_dma source(%arg6 : memref<128xf32, #tpu.memory_space<vmem>>) target(%dma_start3A_70 : memref<10240xf32, #tpu.memory_space<vmem_shared>>) offsets(%dma_start3A_68 : memref<128xi32, #tpu.memory_space<vmem>>) semaphore(%run_scoped3A : memref<!tpu.dma_semaphore, #tpu.memory_space<semaphore_mem>>) {add = true}
        %dma_wait3A = arith.constant 0 : i32
        %dma_wait3A_71 = tpu.memref_slice %arg5[%scan3A_66, %dma_wait3A] : memref<80x128xi32, #tpu.memory_space<vmem>> -> memref<1x128xi32, #tpu.memory_space<vmem>>
        %dma_wait3A_72 = tpu.memref_squeeze %dma_wait3A_71 : memref<1x128xi32, #tpu.memory_space<vmem>> -> memref<128xi32, #tpu.memory_space<vmem>>
        %dma_wait3A_73 = arith.constant 0 : i32
        %dma_wait3A_74 = tpu.memref_slice %arg7[%dma_wait3A_73] : memref<10240xf32, #tpu.memory_space<vmem_shared>> -> memref<10240xf32, #tpu.memory_space<vmem_shared>>
        tpu.wait_indirect_dma semaphore(%run_scoped3A : memref<!tpu.dma_semaphore, #tpu.memory_space<semaphore_mem>>) src(%arg6 : memref<128xf32, #tpu.memory_space<vmem>>) dst(%dma_wait3A_74 : memref<10240xf32, #tpu.memory_space<vmem_shared>>)
        tpu.yield
      }) : () -> ()
    }
    %scan3A_57 = arith.constant 80 : i32
    %barrier3A_58 = arith.constant 0 : index
    tpu.barrier barrier_id(%barrier3A_58)
    %mul3A_59 = arith.constant 640 : i32
    %mul3A_60 = arith.muli %arg1, %mul3A_59 : i32
    %mul3A_61 = arith.constant 10240 : i32
    %mul3A_62 = arith.muli %arg0, %mul3A_61 : i32
    %mul3A_63 = arith.constant 640 : i32
    %mul3A_64 = arith.muli %arg1, %mul3A_63 : i32
    %add3A_65 = arith.addi %mul3A_62, %mul3A_64 : i32
    "tpu.region"() ({
      %run_scoped3A = tpu.sem_alloc : memref<!tpu.dma_semaphore, #tpu.memory_space<semaphore_mem>>
      %dma_start3A = tpu.memref_slice %arg4[%add3A_65] : memref<20480xf32, #tpu.memory_space<hbm>> -> memref<640xf32, #tpu.memory_space<hbm>>
      %dma_start3A_66 = tpu.memref_slice %arg7[%mul3A_60] : memref<10240xf32, #tpu.memory_space<vmem_shared>> -> memref<640xf32, #tpu.memory_space<vmem_shared>>
      tpu.enqueue_dma source(%dma_start3A_66 : memref<640xf32, #tpu.memory_space<vmem_shared>>) target(%dma_start3A : memref<640xf32, #tpu.memory_space<hbm>>) target_semaphore(%run_scoped3A : memref<!tpu.dma_semaphore, #tpu.memory_space<semaphore_mem>>)
      %dma_wait3A = tpu.memref_slice %arg4[%add3A_65] : memref<20480xf32, #tpu.memory_space<hbm>> -> memref<640xf32, #tpu.memory_space<hbm>>
      %dma_wait3A_67 = tpu.memref_slice %arg7[%mul3A_60] : memref<10240xf32, #tpu.memory_space<vmem_shared>> -> memref<640xf32, #tpu.memory_space<vmem_shared>>
      tpu.wait_dma2 semaphore(%run_scoped3A : memref<!tpu.dma_semaphore, #tpu.memory_space<semaphore_mem>>) src(%dma_wait3A_67 : memref<640xf32, #tpu.memory_space<vmem_shared>>) dst(%dma_wait3A : memref<640xf32, #tpu.memory_space<hbm>>)
      tpu.yield
    }) : () -> ()
    return
  }
}

#map = affine_map<(d0, d1) -> (0, 0)>
module attributes {stable_mosaic.version = 14 : i64} {
  func.func @_sc_aggregate(%arg0: i32, %arg1: i32, %arg2: memref<10240x128xf32, #tpu.memory_space<hbm>>, %arg3: memref<2560x128xi32, #tpu.memory_space<hbm>>, %arg4: memref<2560x128xi32, #tpu.memory_space<hbm>>, %arg5: memref<640x128xf32, #tpu.memory_space<hbm>>, %arg6: memref<20480x128xf32, #tpu.memory_space<hbm>>, %arg7: memref<80x128xi32, #tpu.memory_space<vmem>>, %arg8: memref<80x128xi32, #tpu.memory_space<vmem>>, %arg9: memref<128x128xf32, #tpu.memory_space<vmem>>, %arg10: memref<!tpu.dma_semaphore, #tpu.memory_space<semaphore_mem>>, %arg11: memref<10240x128xf32, #tpu.memory_space<vmem_shared>>) attributes {dimension_semantics = [#tpu.dimension_semantics<core_parallel>, #tpu.dimension_semantics<subcore_parallel>], iteration_bounds = array<i64: 2, 16>, scalar_prefetch = 0 : i64, scratch_operands = 5 : i64, tpu.core_type = #tpu.core_type<sc_vector_subcore>, window_params = [{transform_indices = #map}, {transform_indices = #map}, {transform_indices = #map}, {transform_indices = #map}, {transform_indices = #map}]} {
    %mul3A = arith.constant 16 : i32
    %mul3A_0 = arith.muli %arg0, %mul3A : i32
    %add3A = arith.addi %mul3A_0, %arg1 : i32
    %mul3A_1 = arith.constant 80 : i32
    %mul3A_2 = arith.muli %add3A, %mul3A_1 : i32
    "tpu.region"() ({
      %run_scoped3A = tpu.sem_alloc : memref<!tpu.dma_semaphore, #tpu.memory_space<semaphore_mem>>
      %dma_start3A = arith.constant 0 : i32
      %dma_start3A_20 = tpu.memref_slice %arg3[%mul3A_2, %dma_start3A] : memref<2560x128xi32, #tpu.memory_space<hbm>> -> memref<80x128xi32, #tpu.memory_space<hbm>>
      %dma_start3A_21 = arith.constant 0 : i32
      %dma_start3A_22 = tpu.memref_slice %arg3[%mul3A_2, %dma_start3A_21] : memref<2560x128xi32, #tpu.memory_space<hbm>> -> memref<80x128xi32, #tpu.memory_space<hbm>>
      tpu.enqueue_dma source(%dma_start3A_22 : memref<80x128xi32, #tpu.memory_space<hbm>>) target(%arg7 : memref<80x128xi32, #tpu.memory_space<vmem>>) target_semaphore(%run_scoped3A : memref<!tpu.dma_semaphore, #tpu.memory_space<semaphore_mem>>)
      %dma_wait3A = arith.constant 0 : i32
      %dma_wait3A_23 = tpu.memref_slice %arg3[%mul3A_2, %dma_wait3A] : memref<2560x128xi32, #tpu.memory_space<hbm>> -> memref<80x128xi32, #tpu.memory_space<hbm>>
      %dma_wait3A_24 = arith.constant 0 : i32
      %dma_wait3A_25 = tpu.memref_slice %arg3[%mul3A_2, %dma_wait3A_24] : memref<2560x128xi32, #tpu.memory_space<hbm>> -> memref<80x128xi32, #tpu.memory_space<hbm>>
      tpu.wait_dma2 semaphore(%run_scoped3A : memref<!tpu.dma_semaphore, #tpu.memory_space<semaphore_mem>>) src(%dma_wait3A_25 : memref<80x128xi32, #tpu.memory_space<hbm>>) dst(%arg7 : memref<80x128xi32, #tpu.memory_space<vmem>>)
      tpu.yield
    }) : () -> ()
    %mul3A_3 = arith.constant 80 : i32
    %mul3A_4 = arith.muli %add3A, %mul3A_3 : i32
    "tpu.region"() ({
      %run_scoped3A = tpu.sem_alloc : memref<!tpu.dma_semaphore, #tpu.memory_space<semaphore_mem>>
      %dma_start3A = arith.constant 0 : i32
      %dma_start3A_20 = tpu.memref_slice %arg4[%mul3A_4, %dma_start3A] : memref<2560x128xi32, #tpu.memory_space<hbm>> -> memref<80x128xi32, #tpu.memory_space<hbm>>
      %dma_start3A_21 = arith.constant 0 : i32
      %dma_start3A_22 = tpu.memref_slice %arg4[%mul3A_4, %dma_start3A_21] : memref<2560x128xi32, #tpu.memory_space<hbm>> -> memref<80x128xi32, #tpu.memory_space<hbm>>
      tpu.enqueue_dma source(%dma_start3A_22 : memref<80x128xi32, #tpu.memory_space<hbm>>) target(%arg8 : memref<80x128xi32, #tpu.memory_space<vmem>>) target_semaphore(%run_scoped3A : memref<!tpu.dma_semaphore, #tpu.memory_space<semaphore_mem>>)
      %dma_wait3A = arith.constant 0 : i32
      %dma_wait3A_23 = tpu.memref_slice %arg4[%mul3A_4, %dma_wait3A] : memref<2560x128xi32, #tpu.memory_space<hbm>> -> memref<80x128xi32, #tpu.memory_space<hbm>>
      %dma_wait3A_24 = arith.constant 0 : i32
      %dma_wait3A_25 = tpu.memref_slice %arg4[%mul3A_4, %dma_wait3A_24] : memref<2560x128xi32, #tpu.memory_space<hbm>> -> memref<80x128xi32, #tpu.memory_space<hbm>>
      tpu.wait_dma2 semaphore(%run_scoped3A : memref<!tpu.dma_semaphore, #tpu.memory_space<semaphore_mem>>) src(%dma_wait3A_25 : memref<80x128xi32, #tpu.memory_space<hbm>>) dst(%arg8 : memref<80x128xi32, #tpu.memory_space<vmem>>)
      tpu.yield
    }) : () -> ()
    %mul3A_5 = arith.constant 640 : i32
    %mul3A_6 = arith.muli %arg1, %mul3A_5 : i32
    "tpu.region"() ({
      %run_scoped3A = tpu.sem_alloc : memref<!tpu.dma_semaphore, #tpu.memory_space<semaphore_mem>>
      %dma_start3A = arith.constant 0 : i32
      %dma_start3A_20 = tpu.memref_slice %arg11[%mul3A_6, %dma_start3A] : memref<10240x128xf32, #tpu.memory_space<vmem_shared>> -> memref<640x128xf32, #tpu.memory_space<vmem_shared>>
      tpu.enqueue_dma source(%arg5 : memref<640x128xf32, #tpu.memory_space<hbm>>) target(%dma_start3A_20 : memref<640x128xf32, #tpu.memory_space<vmem_shared>>) target_semaphore(%run_scoped3A : memref<!tpu.dma_semaphore, #tpu.memory_space<semaphore_mem>>)
      %dma_wait3A = arith.constant 0 : i32
      %dma_wait3A_21 = tpu.memref_slice %arg11[%mul3A_6, %dma_wait3A] : memref<10240x128xf32, #tpu.memory_space<vmem_shared>> -> memref<640x128xf32, #tpu.memory_space<vmem_shared>>
      tpu.wait_dma2 semaphore(%run_scoped3A : memref<!tpu.dma_semaphore, #tpu.memory_space<semaphore_mem>>) src(%arg5 : memref<640x128xf32, #tpu.memory_space<hbm>>) dst(%dma_wait3A_21 : memref<640x128xf32, #tpu.memory_space<vmem_shared>>)
      tpu.yield
    }) : () -> ()
    %barrier3A = arith.constant 0 : index
    tpu.barrier barrier_id(%barrier3A)
    %scan3A = arith.constant 0 : i32
    %scan3A_7 = arith.constant 0 : i32
    %scan3A_8 = arith.constant 80 : i32
    %scan3A_9 = arith.addi %scan3A_7, %scan3A_8 : i32
    %scan3A_10 = arith.constant 1 : i32
    scf.for %scan3A_20 = %scan3A_7 to %scan3A_9 step %scan3A_10  : i32 {
      %dma_start3A = arith.constant 0 : i32
      %dma_start3A_21 = tpu.memref_slice %arg7[%scan3A_20, %dma_start3A] : memref<80x128xi32, #tpu.memory_space<vmem>> -> memref<1x128xi32, #tpu.memory_space<vmem>>
      %dma_start3A_22 = tpu.memref_squeeze %dma_start3A_21 : memref<1x128xi32, #tpu.memory_space<vmem>> -> memref<128xi32, #tpu.memory_space<vmem>>
      %dma_start3A_23 = arith.constant 0 : i32
      %dma_start3A_24 = arith.constant 0 : i32
      %dma_start3A_25 = tpu.memref_slice %arg2[%dma_start3A_23, %dma_start3A_24] : memref<10240x128xf32, #tpu.memory_space<hbm>> -> memref<10240x128xf32, #tpu.memory_space<hbm>>
      tpu.enqueue_indirect_dma source(%dma_start3A_25 : memref<10240x128xf32, #tpu.memory_space<hbm>>) target(%arg9 : memref<128x128xf32, #tpu.memory_space<vmem>>) offsets(%dma_start3A_22 : memref<128xi32, #tpu.memory_space<vmem>>) semaphore(%arg10 : memref<!tpu.dma_semaphore, #tpu.memory_space<semaphore_mem>>)
      %dma_wait3A = arith.constant 0 : i32
      %dma_wait3A_26 = tpu.memref_slice %arg7[%scan3A_20, %dma_wait3A] : memref<80x128xi32, #tpu.memory_space<vmem>> -> memref<1x128xi32, #tpu.memory_space<vmem>>
      %dma_wait3A_27 = tpu.memref_squeeze %dma_wait3A_26 : memref<1x128xi32, #tpu.memory_space<vmem>> -> memref<128xi32, #tpu.memory_space<vmem>>
      %dma_wait3A_28 = arith.constant 0 : i32
      %dma_wait3A_29 = arith.constant 0 : i32
      %dma_wait3A_30 = tpu.memref_slice %arg2[%dma_wait3A_28, %dma_wait3A_29] : memref<10240x128xf32, #tpu.memory_space<hbm>> -> memref<10240x128xf32, #tpu.memory_space<hbm>>
      tpu.wait_indirect_dma semaphore(%arg10 : memref<!tpu.dma_semaphore, #tpu.memory_space<semaphore_mem>>) src(%dma_wait3A_30 : memref<10240x128xf32, #tpu.memory_space<hbm>>) dst(%arg9 : memref<128x128xf32, #tpu.memory_space<vmem>>)
      "tpu.region"() ({
        %run_scoped3A = tpu.sem_alloc : memref<!tpu.dma_semaphore, #tpu.memory_space<semaphore_mem>>
        %dma_start3A_31 = arith.constant 0 : i32
        %dma_start3A_32 = tpu.memref_slice %arg8[%scan3A_20, %dma_start3A_31] : memref<80x128xi32, #tpu.memory_space<vmem>> -> memref<1x128xi32, #tpu.memory_space<vmem>>
        %dma_start3A_33 = tpu.memref_squeeze %dma_start3A_32 : memref<1x128xi32, #tpu.memory_space<vmem>> -> memref<128xi32, #tpu.memory_space<vmem>>
        %dma_start3A_34 = arith.constant 0 : i32
        %dma_start3A_35 = arith.constant 0 : i32
        %dma_start3A_36 = tpu.memref_slice %arg11[%dma_start3A_34, %dma_start3A_35] : memref<10240x128xf32, #tpu.memory_space<vmem_shared>> -> memref<10240x128xf32, #tpu.memory_space<vmem_shared>>
        tpu.enqueue_indirect_dma source(%arg9 : memref<128x128xf32, #tpu.memory_space<vmem>>) target(%dma_start3A_36 : memref<10240x128xf32, #tpu.memory_space<vmem_shared>>) offsets(%dma_start3A_33 : memref<128xi32, #tpu.memory_space<vmem>>) semaphore(%run_scoped3A : memref<!tpu.dma_semaphore, #tpu.memory_space<semaphore_mem>>) {add = true}
        %dma_wait3A_37 = arith.constant 0 : i32
        %dma_wait3A_38 = tpu.memref_slice %arg8[%scan3A_20, %dma_wait3A_37] : memref<80x128xi32, #tpu.memory_space<vmem>> -> memref<1x128xi32, #tpu.memory_space<vmem>>
        %dma_wait3A_39 = tpu.memref_squeeze %dma_wait3A_38 : memref<1x128xi32, #tpu.memory_space<vmem>> -> memref<128xi32, #tpu.memory_space<vmem>>
        %dma_wait3A_40 = arith.constant 0 : i32
        %dma_wait3A_41 = arith.constant 0 : i32
        %dma_wait3A_42 = tpu.memref_slice %arg11[%dma_wait3A_40, %dma_wait3A_41] : memref<10240x128xf32, #tpu.memory_space<vmem_shared>> -> memref<10240x128xf32, #tpu.memory_space<vmem_shared>>
        tpu.wait_indirect_dma semaphore(%run_scoped3A : memref<!tpu.dma_semaphore, #tpu.memory_space<semaphore_mem>>) src(%arg9 : memref<128x128xf32, #tpu.memory_space<vmem>>) dst(%dma_wait3A_42 : memref<10240x128xf32, #tpu.memory_space<vmem_shared>>)
        tpu.yield
      }) : () -> ()
    }
    %scan3A_11 = arith.constant 80 : i32
    %barrier3A_12 = arith.constant 0 : index
    tpu.barrier barrier_id(%barrier3A_12)
    %mul3A_13 = arith.constant 640 : i32
    %mul3A_14 = arith.muli %arg1, %mul3A_13 : i32
    %mul3A_15 = arith.constant 10240 : i32
    %mul3A_16 = arith.muli %arg0, %mul3A_15 : i32
    %mul3A_17 = arith.constant 640 : i32
    %mul3A_18 = arith.muli %arg1, %mul3A_17 : i32
    %add3A_19 = arith.addi %mul3A_16, %mul3A_18 : i32
    "tpu.region"() ({
      %run_scoped3A = tpu.sem_alloc : memref<!tpu.dma_semaphore, #tpu.memory_space<semaphore_mem>>
      %dma_start3A = arith.constant 0 : i32
      %dma_start3A_20 = tpu.memref_slice %arg6[%add3A_19, %dma_start3A] : memref<20480x128xf32, #tpu.memory_space<hbm>> -> memref<640x128xf32, #tpu.memory_space<hbm>>
      %dma_start3A_21 = arith.constant 0 : i32
      %dma_start3A_22 = tpu.memref_slice %arg11[%mul3A_14, %dma_start3A_21] : memref<10240x128xf32, #tpu.memory_space<vmem_shared>> -> memref<640x128xf32, #tpu.memory_space<vmem_shared>>
      tpu.enqueue_dma source(%dma_start3A_22 : memref<640x128xf32, #tpu.memory_space<vmem_shared>>) target(%dma_start3A_20 : memref<640x128xf32, #tpu.memory_space<hbm>>) target_semaphore(%run_scoped3A : memref<!tpu.dma_semaphore, #tpu.memory_space<semaphore_mem>>)
      %dma_wait3A = arith.constant 0 : i32
      %dma_wait3A_23 = tpu.memref_slice %arg6[%add3A_19, %dma_wait3A] : memref<20480x128xf32, #tpu.memory_space<hbm>> -> memref<640x128xf32, #tpu.memory_space<hbm>>
      %dma_wait3A_24 = arith.constant 0 : i32
      %dma_wait3A_25 = tpu.memref_slice %arg11[%mul3A_14, %dma_wait3A_24] : memref<10240x128xf32, #tpu.memory_space<vmem_shared>> -> memref<640x128xf32, #tpu.memory_space<vmem_shared>>
      tpu.wait_dma2 semaphore(%run_scoped3A : memref<!tpu.dma_semaphore, #tpu.memory_space<semaphore_mem>>) src(%dma_wait3A_25 : memref<640x128xf32, #tpu.memory_space<vmem_shared>>) dst(%dma_wait3A_23 : memref<640x128xf32, #tpu.memory_space<hbm>>)
      tpu.yield
    }) : () -> ()
    return
  }
}

#map = affine_map<(d0, d1) -> (0, 0)>
module attributes {stable_mosaic.version = 14 : i64} {
  func.func @_sc_aggregate(%arg0: i32, %arg1: i32, %arg2: memref<10240x128xf32, #tpu.memory_space<hbm>>, %arg3: memref<2560x128xi32, #tpu.memory_space<hbm>>, %arg4: memref<2560x128xi32, #tpu.memory_space<hbm>>, %arg5: memref<640x128xf32, #tpu.memory_space<hbm>>, %arg6: memref<20480x128xf32, #tpu.memory_space<hbm>>, %arg7: memref<80x128xi32, #tpu.memory_space<vmem>>, %arg8: memref<80x128xi32, #tpu.memory_space<vmem>>, %arg9: memref<128x128xf32, #tpu.memory_space<vmem>>, %arg10: memref<!tpu.dma_semaphore, #tpu.memory_space<semaphore_mem>>, %arg11: memref<10240x128xf32, #tpu.memory_space<vmem_shared>>) attributes {dimension_semantics = [#tpu.dimension_semantics<core_parallel>, #tpu.dimension_semantics<subcore_parallel>], iteration_bounds = array<i64: 2, 16>, scalar_prefetch = 0 : i64, scratch_operands = 5 : i64, tpu.core_type = #tpu.core_type<sc_vector_subcore>, window_params = [{transform_indices = #map}, {transform_indices = #map}, {transform_indices = #map}, {transform_indices = #map}, {transform_indices = #map}]} {
    %mul3A = arith.constant 16 : i32
    %mul3A_0 = arith.muli %arg0, %mul3A : i32
    %add3A = arith.addi %mul3A_0, %arg1 : i32
    %mul3A_1 = arith.constant 80 : i32
    %mul3A_2 = arith.muli %add3A, %mul3A_1 : i32
    "tpu.region"() ({
      %run_scoped3A = tpu.sem_alloc : memref<!tpu.dma_semaphore, #tpu.memory_space<semaphore_mem>>
      %dma_start3A = arith.constant 0 : i32
      %dma_start3A_20 = tpu.memref_slice %arg3[%mul3A_2, %dma_start3A] : memref<2560x128xi32, #tpu.memory_space<hbm>> -> memref<80x128xi32, #tpu.memory_space<hbm>>
      %dma_start3A_21 = arith.constant 0 : i32
      %dma_start3A_22 = tpu.memref_slice %arg3[%mul3A_2, %dma_start3A_21] : memref<2560x128xi32, #tpu.memory_space<hbm>> -> memref<80x128xi32, #tpu.memory_space<hbm>>
      tpu.enqueue_dma source(%dma_start3A_22 : memref<80x128xi32, #tpu.memory_space<hbm>>) target(%arg7 : memref<80x128xi32, #tpu.memory_space<vmem>>) target_semaphore(%run_scoped3A : memref<!tpu.dma_semaphore, #tpu.memory_space<semaphore_mem>>)
      %dma_wait3A = arith.constant 0 : i32
      %dma_wait3A_23 = tpu.memref_slice %arg3[%mul3A_2, %dma_wait3A] : memref<2560x128xi32, #tpu.memory_space<hbm>> -> memref<80x128xi32, #tpu.memory_space<hbm>>
      %dma_wait3A_24 = arith.constant 0 : i32
      %dma_wait3A_25 = tpu.memref_slice %arg3[%mul3A_2, %dma_wait3A_24] : memref<2560x128xi32, #tpu.memory_space<hbm>> -> memref<80x128xi32, #tpu.memory_space<hbm>>
      tpu.wait_dma2 semaphore(%run_scoped3A : memref<!tpu.dma_semaphore, #tpu.memory_space<semaphore_mem>>) src(%dma_wait3A_25 : memref<80x128xi32, #tpu.memory_space<hbm>>) dst(%arg7 : memref<80x128xi32, #tpu.memory_space<vmem>>)
      tpu.yield
    }) : () -> ()
    %mul3A_3 = arith.constant 80 : i32
    %mul3A_4 = arith.muli %add3A, %mul3A_3 : i32
    "tpu.region"() ({
      %run_scoped3A = tpu.sem_alloc : memref<!tpu.dma_semaphore, #tpu.memory_space<semaphore_mem>>
      %dma_start3A = arith.constant 0 : i32
      %dma_start3A_20 = tpu.memref_slice %arg4[%mul3A_4, %dma_start3A] : memref<2560x128xi32, #tpu.memory_space<hbm>> -> memref<80x128xi32, #tpu.memory_space<hbm>>
      %dma_start3A_21 = arith.constant 0 : i32
      %dma_start3A_22 = tpu.memref_slice %arg4[%mul3A_4, %dma_start3A_21] : memref<2560x128xi32, #tpu.memory_space<hbm>> -> memref<80x128xi32, #tpu.memory_space<hbm>>
      tpu.enqueue_dma source(%dma_start3A_22 : memref<80x128xi32, #tpu.memory_space<hbm>>) target(%arg8 : memref<80x128xi32, #tpu.memory_space<vmem>>) target_semaphore(%run_scoped3A : memref<!tpu.dma_semaphore, #tpu.memory_space<semaphore_mem>>)
      %dma_wait3A = arith.constant 0 : i32
      %dma_wait3A_23 = tpu.memref_slice %arg4[%mul3A_4, %dma_wait3A] : memref<2560x128xi32, #tpu.memory_space<hbm>> -> memref<80x128xi32, #tpu.memory_space<hbm>>
      %dma_wait3A_24 = arith.constant 0 : i32
      %dma_wait3A_25 = tpu.memref_slice %arg4[%mul3A_4, %dma_wait3A_24] : memref<2560x128xi32, #tpu.memory_space<hbm>> -> memref<80x128xi32, #tpu.memory_space<hbm>>
      tpu.wait_dma2 semaphore(%run_scoped3A : memref<!tpu.dma_semaphore, #tpu.memory_space<semaphore_mem>>) src(%dma_wait3A_25 : memref<80x128xi32, #tpu.memory_space<hbm>>) dst(%arg8 : memref<80x128xi32, #tpu.memory_space<vmem>>)
      tpu.yield
    }) : () -> ()
    %mul3A_5 = arith.constant 640 : i32
    %mul3A_6 = arith.muli %arg1, %mul3A_5 : i32
    "tpu.region"() ({
      %run_scoped3A = tpu.sem_alloc : memref<!tpu.dma_semaphore, #tpu.memory_space<semaphore_mem>>
      %dma_start3A = arith.constant 0 : i32
      %dma_start3A_20 = tpu.memref_slice %arg11[%mul3A_6, %dma_start3A] : memref<10240x128xf32, #tpu.memory_space<vmem_shared>> -> memref<640x128xf32, #tpu.memory_space<vmem_shared>>
      tpu.enqueue_dma source(%arg5 : memref<640x128xf32, #tpu.memory_space<hbm>>) target(%dma_start3A_20 : memref<640x128xf32, #tpu.memory_space<vmem_shared>>) target_semaphore(%run_scoped3A : memref<!tpu.dma_semaphore, #tpu.memory_space<semaphore_mem>>)
      %dma_wait3A = arith.constant 0 : i32
      %dma_wait3A_21 = tpu.memref_slice %arg11[%mul3A_6, %dma_wait3A] : memref<10240x128xf32, #tpu.memory_space<vmem_shared>> -> memref<640x128xf32, #tpu.memory_space<vmem_shared>>
      tpu.wait_dma2 semaphore(%run_scoped3A : memref<!tpu.dma_semaphore, #tpu.memory_space<semaphore_mem>>) src(%arg5 : memref<640x128xf32, #tpu.memory_space<hbm>>) dst(%dma_wait3A_21 : memref<640x128xf32, #tpu.memory_space<vmem_shared>>)
      tpu.yield
    }) : () -> ()
    %barrier3A = arith.constant 0 : index
    tpu.barrier barrier_id(%barrier3A)
    %scan3A = arith.constant 0 : i32
    %scan3A_7 = arith.constant 0 : i32
    %scan3A_8 = arith.constant 80 : i32
    %scan3A_9 = arith.addi %scan3A_7, %scan3A_8 : i32
    %scan3A_10 = arith.constant 1 : i32
    scf.for %scan3A_20 = %scan3A_7 to %scan3A_9 step %scan3A_10  : i32 {
      %dma_start3A = arith.constant 0 : i32
      %dma_start3A_21 = tpu.memref_slice %arg7[%scan3A_20, %dma_start3A] : memref<80x128xi32, #tpu.memory_space<vmem>> -> memref<1x128xi32, #tpu.memory_space<vmem>>
      %dma_start3A_22 = tpu.memref_squeeze %dma_start3A_21 : memref<1x128xi32, #tpu.memory_space<vmem>> -> memref<128xi32, #tpu.memory_space<vmem>>
      %dma_start3A_23 = arith.constant 0 : i32
      %dma_start3A_24 = arith.constant 0 : i32
      %dma_start3A_25 = tpu.memref_slice %arg2[%dma_start3A_23, %dma_start3A_24] : memref<10240x128xf32, #tpu.memory_space<hbm>> -> memref<10240x128xf32, #tpu.memory_space<hbm>>
      tpu.enqueue_indirect_dma source(%dma_start3A_25 : memref<10240x128xf32, #tpu.memory_space<hbm>>) target(%arg9 : memref<128x128xf32, #tpu.memory_space<vmem>>) offsets(%dma_start3A_22 : memref<128xi32, #tpu.memory_space<vmem>>) semaphore(%arg10 : memref<!tpu.dma_semaphore, #tpu.memory_space<semaphore_mem>>)
      %dma_wait3A = arith.constant 0 : i32
      %dma_wait3A_26 = tpu.memref_slice %arg7[%scan3A_20, %dma_wait3A] : memref<80x128xi32, #tpu.memory_space<vmem>> -> memref<1x128xi32, #tpu.memory_space<vmem>>
      %dma_wait3A_27 = tpu.memref_squeeze %dma_wait3A_26 : memref<1x128xi32, #tpu.memory_space<vmem>> -> memref<128xi32, #tpu.memory_space<vmem>>
      %dma_wait3A_28 = arith.constant 0 : i32
      %dma_wait3A_29 = arith.constant 0 : i32
      %dma_wait3A_30 = tpu.memref_slice %arg2[%dma_wait3A_28, %dma_wait3A_29] : memref<10240x128xf32, #tpu.memory_space<hbm>> -> memref<10240x128xf32, #tpu.memory_space<hbm>>
      tpu.wait_indirect_dma semaphore(%arg10 : memref<!tpu.dma_semaphore, #tpu.memory_space<semaphore_mem>>) src(%dma_wait3A_30 : memref<10240x128xf32, #tpu.memory_space<hbm>>) dst(%arg9 : memref<128x128xf32, #tpu.memory_space<vmem>>)
      "tpu.region"() ({
        %run_scoped3A = tpu.sem_alloc : memref<!tpu.dma_semaphore, #tpu.memory_space<semaphore_mem>>
        %dma_start3A_31 = arith.constant 0 : i32
        %dma_start3A_32 = tpu.memref_slice %arg8[%scan3A_20, %dma_start3A_31] : memref<80x128xi32, #tpu.memory_space<vmem>> -> memref<1x128xi32, #tpu.memory_space<vmem>>
        %dma_start3A_33 = tpu.memref_squeeze %dma_start3A_32 : memref<1x128xi32, #tpu.memory_space<vmem>> -> memref<128xi32, #tpu.memory_space<vmem>>
        %dma_start3A_34 = arith.constant 0 : i32
        %dma_start3A_35 = arith.constant 0 : i32
        %dma_start3A_36 = tpu.memref_slice %arg11[%dma_start3A_34, %dma_start3A_35] : memref<10240x128xf32, #tpu.memory_space<vmem_shared>> -> memref<10240x128xf32, #tpu.memory_space<vmem_shared>>
        tpu.enqueue_indirect_dma source(%arg9 : memref<128x128xf32, #tpu.memory_space<vmem>>) target(%dma_start3A_36 : memref<10240x128xf32, #tpu.memory_space<vmem_shared>>) offsets(%dma_start3A_33 : memref<128xi32, #tpu.memory_space<vmem>>) semaphore(%run_scoped3A : memref<!tpu.dma_semaphore, #tpu.memory_space<semaphore_mem>>) {add = true}
        %dma_wait3A_37 = arith.constant 0 : i32
        %dma_wait3A_38 = tpu.memref_slice %arg8[%scan3A_20, %dma_wait3A_37] : memref<80x128xi32, #tpu.memory_space<vmem>> -> memref<1x128xi32, #tpu.memory_space<vmem>>
        %dma_wait3A_39 = tpu.memref_squeeze %dma_wait3A_38 : memref<1x128xi32, #tpu.memory_space<vmem>> -> memref<128xi32, #tpu.memory_space<vmem>>
        %dma_wait3A_40 = arith.constant 0 : i32
        %dma_wait3A_41 = arith.constant 0 : i32
        %dma_wait3A_42 = tpu.memref_slice %arg11[%dma_wait3A_40, %dma_wait3A_41] : memref<10240x128xf32, #tpu.memory_space<vmem_shared>> -> memref<10240x128xf32, #tpu.memory_space<vmem_shared>>
        tpu.wait_indirect_dma semaphore(%run_scoped3A : memref<!tpu.dma_semaphore, #tpu.memory_space<semaphore_mem>>) src(%arg9 : memref<128x128xf32, #tpu.memory_space<vmem>>) dst(%dma_wait3A_42 : memref<10240x128xf32, #tpu.memory_space<vmem_shared>>)
        tpu.yield
      }) : () -> ()
    }
    %scan3A_11 = arith.constant 80 : i32
    %barrier3A_12 = arith.constant 0 : index
    tpu.barrier barrier_id(%barrier3A_12)
    %mul3A_13 = arith.constant 640 : i32
    %mul3A_14 = arith.muli %arg1, %mul3A_13 : i32
    %mul3A_15 = arith.constant 10240 : i32
    %mul3A_16 = arith.muli %arg0, %mul3A_15 : i32
    %mul3A_17 = arith.constant 640 : i32
    %mul3A_18 = arith.muli %arg1, %mul3A_17 : i32
    %add3A_19 = arith.addi %mul3A_16, %mul3A_18 : i32
    "tpu.region"() ({
      %run_scoped3A = tpu.sem_alloc : memref<!tpu.dma_semaphore, #tpu.memory_space<semaphore_mem>>
      %dma_start3A = arith.constant 0 : i32
      %dma_start3A_20 = tpu.memref_slice %arg6[%add3A_19, %dma_start3A] : memref<20480x128xf32, #tpu.memory_space<hbm>> -> memref<640x128xf32, #tpu.memory_space<hbm>>
      %dma_start3A_21 = arith.constant 0 : i32
      %dma_start3A_22 = tpu.memref_slice %arg11[%mul3A_14, %dma_start3A_21] : memref<10240x128xf32, #tpu.memory_space<vmem_shared>> -> memref<640x128xf32, #tpu.memory_space<vmem_shared>>
      tpu.enqueue_dma source(%dma_start3A_22 : memref<640x128xf32, #tpu.memory_space<vmem_shared>>) target(%dma_start3A_20 : memref<640x128xf32, #tpu.memory_space<hbm>>) target_semaphore(%run_scoped3A : memref<!tpu.dma_semaphore, #tpu.memory_space<semaphore_mem>>)
      %dma_wait3A = arith.constant 0 : i32
      %dma_wait3A_23 = tpu.memref_slice %arg6[%add3A_19, %dma_wait3A] : memref<20480x128xf32, #tpu.memory_space<hbm>> -> memref<640x128xf32, #tpu.memory_space<hbm>>
      %dma_wait3A_24 = arith.constant 0 : i32
      %dma_wait3A_25 = tpu.memref_slice %arg11[%mul3A_14, %dma_wait3A_24] : memref<10240x128xf32, #tpu.memory_space<vmem_shared>> -> memref<640x128xf32, #tpu.memory_space<vmem_shared>>
      tpu.wait_dma2 semaphore(%run_scoped3A : memref<!tpu.dma_semaphore, #tpu.memory_space<semaphore_mem>>) src(%dma_wait3A_25 : memref<640x128xf32, #tpu.memory_space<vmem_shared>>) dst(%dma_wait3A_23 : memref<640x128xf32, #tpu.memory_space<hbm>>)
      tpu.yield
    }) : () -> ()
    return
  }
}

module attributes {stable_mosaic.version = 14 : i64} {
  func.func @_tc_scale_matmul(%arg0: i32, %arg1: memref<640x128xf32, #tpu.memory_space<vmem>>, %arg2: memref<128x128xf32, #tpu.memory_space<vmem>>, %arg3: memref<640x1xf32, #tpu.memory_space<vmem>>, %arg4: memref<640x1xf32, #tpu.memory_space<vmem>>, %arg5: memref<640x128xf32, #tpu.memory_space<vmem>>) attributes {dimension_semantics = [#tpu.dimension_semantics<arbitrary>], iteration_bounds = array<i64: 16>, scalar_prefetch = 0 : i64, scratch_operands = 0 : i64, tpu.core_type = #tpu.core_type<tc>, window_params = [{transform_indices = @transform_0, window_bounds = array<i64: 640, 128>}, {pipeline_mode = #tpu.pipeline_mode<synchronous>, transform_indices = @transform_1, window_bounds = array<i64: 128, 128>}, {transform_indices = @transform_2, window_bounds = array<i64: 640, 1>}, {transform_indices = @transform_3, window_bounds = array<i64: 640, 1>}, {transform_indices = @transform_4, window_bounds = array<i64: 640, 128>}]} {
    %get3A = arith.constant 0 : index
    %get3A_0 = arith.constant 0 : index
    %get3A_1 = vector.load %arg1[%get3A, %get3A_0] : memref<640x128xf32, #tpu.memory_space<vmem>>, vector<640x128xf32>
    %get3A_2 = arith.constant 0 : index
    %get3A_3 = arith.constant 0 : index
    %get3A_4 = vector.load %arg2[%get3A_2, %get3A_3] : memref<128x128xf32, #tpu.memory_space<vmem>>, vector<128x128xf32>
    %dot_general3A = arith.constant dense<0.000000e+00> : vector<640x128xf32>
    %dot_general3A_5 = tpu.matmul %get3A_1, %get3A_4, %dot_general3A {dimension_numbers = #tpu.dot_dimension_numbers<[1], [0], [0], [1], [0, 0, 1, 1], [], []>, transpose_lhs_hint = false} : vector<640x128xf32>, vector<128x128xf32>, vector<640x128xf32> -> vector<640x128xf32>
    %get3A_6 = arith.constant 0 : index
    %get3A_7 = arith.constant 0 : index
    %get3A_8 = vector.load %arg3[%get3A_6, %get3A_7] : memref<640x1xf32, #tpu.memory_space<vmem>>, vector<640x1xf32>
    %get3A_9 = arith.constant 0 : index
    %get3A_10 = arith.constant 0 : index
    %get3A_11 = vector.load %arg4[%get3A_9, %get3A_10] : memref<640x1xf32, #tpu.memory_space<vmem>>, vector<640x1xf32>
    %add3A = arith.addf %get3A_8, %get3A_11 : vector<640x1xf32>
    %gt3A = arith.constant 0.000000e+00 : f32
    %gt3A_12 = vector.broadcast %gt3A : f32 to vector<640x1xf32>
    %gt3A_13 = arith.cmpf ogt, %add3A, %gt3A_12 : vector<640x1xf32>
    %max3A = arith.constant 9.99999968E-21 : f32
    %max3A_14 = vector.broadcast %max3A : f32 to vector<640x1xf32>
    %max3A_15 = arith.maximumf %add3A, %max3A_14 : vector<640x1xf32>
    %rsqrt3A = math.rsqrt %max3A_15 : vector<640x1xf32>
    %jit3A = arith.constant 0.000000e+00 : f32
    %broadcast_in_dim3A = vector.broadcast %jit3A : f32 to vector<640x1xf32>
    %select_n3A = arith.select %gt3A_13, %rsqrt3A, %broadcast_in_dim3A : vector<640x1xi1>, vector<640x1xf32>
    %mul3A = vector.broadcast %select_n3A : vector<640x1xf32> to vector<640x128xf32>
    %mul3A_16 = arith.mulf %dot_general3A_5, %mul3A : vector<640x128xf32>
    %swap3A = arith.constant 0 : index
    %swap3A_17 = arith.constant 0 : index
    %swap3A_18 = vector.load %arg5[%swap3A, %swap3A_17] : memref<640x128xf32, #tpu.memory_space<vmem>>, vector<640x128xf32>
    tpu.vector_store %arg5[%swap3A, %swap3A_17], %mul3A_16 {strides = array<i32>} : memref<640x128xf32, #tpu.memory_space<vmem>>, vector<640x128xf32>,
    return
  }
  func.func @transform_0(%arg0: i32) -> (i32, i32) {
    %c0_i32 = arith.constant 0 : i32
    %c0_i32_0 = arith.constant 0 : i32
    return %arg0, %c0_i32 : i32, i32
  }
  func.func @transform_1(%arg0: i32) -> (i32, i32) {
    %c0_i32 = arith.constant 0 : i32
    %c0_i32_0 = arith.constant 0 : i32
    %c0_i32_1 = arith.constant 0 : i32
    return %c0_i32, %c0_i32_0 : i32, i32
  }
  func.func @transform_2(%arg0: i32) -> (i32, i32) {
    %c0_i32 = arith.constant 0 : i32
    %c0_i32_0 = arith.constant 0 : i32
    return %arg0, %c0_i32 : i32, i32
  }
  func.func @transform_3(%arg0: i32) -> (i32, i32) {
    %c0_i32 = arith.constant 0 : i32
    %c0_i32_0 = arith.constant 0 : i32
    return %arg0, %c0_i32 : i32, i32
  }
  func.func @transform_4(%arg0: i32) -> (i32, i32) {
    %c0_i32 = arith.constant 0 : i32
    %c0_i32_0 = arith.constant 0 : i32
    return %arg0, %c0_i32 : i32, i32
  }
}

module attributes {stable_mosaic.version = 14 : i64} {
  func.func @_tc_post_stats(%arg0: i32, %arg1: memref<640x128xf32, #tpu.memory_space<vmem>>, %arg2: memref<640x128xf32, #tpu.memory_space<vmem>>, %arg3: memref<640x128xf32, #tpu.memory_space<vmem>>, %arg4: memref<640x1xf32, #tpu.memory_space<vmem>>, %arg5: memref<640x1xf32, #tpu.memory_space<vmem>>, %arg6: memref<1x128xf32, #tpu.memory_space<vmem>>, %arg7: memref<640x128xf32, #tpu.memory_space<vmem>>, %arg8: memref<2x128xf32, #tpu.memory_space<vmem>>, %arg9: memref<2x128xf32, #tpu.memory_space<vmem>>) attributes {dimension_semantics = [#tpu.dimension_semantics<arbitrary>], iteration_bounds = array<i64: 16>, scalar_prefetch = 0 : i64, scratch_operands = 1 : i64, tpu.core_type = #tpu.core_type<tc>, window_params = [{transform_indices = @transform_0, window_bounds = array<i64: 640, 128>}, {transform_indices = @transform_1, window_bounds = array<i64: 640, 128>}, {transform_indices = @transform_2, window_bounds = array<i64: 640, 128>}, {transform_indices = @transform_3, window_bounds = array<i64: 640, 1>}, {transform_indices = @transform_4, window_bounds = array<i64: 640, 1>}, {pipeline_mode = #tpu.pipeline_mode<synchronous>, transform_indices = @transform_5, window_bounds = array<i64: 1, 128>}, {transform_indices = @transform_6, window_bounds = array<i64: 640, 128>}, {pipeline_mode = #tpu.pipeline_mode<synchronous>, transform_indices = @transform_7, window_bounds = array<i64: 2, 128>}]} {
    %get3A = arith.constant 0 : index
    %get3A_0 = arith.constant 0 : index
    %get3A_1 = vector.load %arg1[%get3A, %get3A_0] : memref<640x128xf32, #tpu.memory_space<vmem>>, vector<640x128xf32>
    %get3A_2 = arith.constant 0 : index
    %get3A_3 = arith.constant 0 : index
    %get3A_4 = vector.load %arg2[%get3A_2, %get3A_3] : memref<640x128xf32, #tpu.memory_space<vmem>>, vector<640x128xf32>
    %add3A = arith.addf %get3A_1, %get3A_4 : vector<640x128xf32>
    %get3A_5 = arith.constant 0 : index
    %get3A_6 = arith.constant 0 : index
    %get3A_7 = vector.load %arg3[%get3A_5, %get3A_6] : memref<640x128xf32, #tpu.memory_space<vmem>>, vector<640x128xf32>
    %add3A_8 = arith.addf %add3A, %get3A_7 : vector<640x128xf32>
    %get3A_9 = arith.constant 0 : index
    %get3A_10 = arith.constant 0 : index
    %get3A_11 = vector.load %arg4[%get3A_9, %get3A_10] : memref<640x1xf32, #tpu.memory_space<vmem>>, vector<640x1xf32>
    %get3A_12 = arith.constant 0 : index
    %get3A_13 = arith.constant 0 : index
    %get3A_14 = vector.load %arg5[%get3A_12, %get3A_13] : memref<640x1xf32, #tpu.memory_space<vmem>>, vector<640x1xf32>
    %add3A_15 = arith.addf %get3A_11, %get3A_14 : vector<640x1xf32>
    %gt3A = arith.constant 0.000000e+00 : f32
    %gt3A_16 = vector.broadcast %gt3A : f32 to vector<640x1xf32>
    %gt3A_17 = arith.cmpf ogt, %add3A_15, %gt3A_16 : vector<640x1xf32>
    %max3A = arith.constant 9.99999968E-21 : f32
    %max3A_18 = vector.broadcast %max3A : f32 to vector<640x1xf32>
    %max3A_19 = arith.maximumf %add3A_15, %max3A_18 : vector<640x1xf32>
    %rsqrt3A = math.rsqrt %max3A_19 : vector<640x1xf32>
    %jit3A = arith.constant 0.000000e+00 : f32
    %broadcast_in_dim3A = vector.broadcast %jit3A : f32 to vector<640x1xf32>
    %select_n3A = arith.select %gt3A_17, %rsqrt3A, %broadcast_in_dim3A : vector<640x1xi1>, vector<640x1xf32>
    %mul3A = vector.broadcast %select_n3A : vector<640x1xf32> to vector<640x128xf32>
    %mul3A_20 = arith.mulf %add3A_8, %mul3A : vector<640x128xf32>
    %get3A_21 = arith.constant 0 : index
    %get3A_22 = arith.constant 0 : index
    %get3A_23 = vector.load %arg6[%get3A_21, %get3A_22] : memref<1x128xf32, #tpu.memory_space<vmem>>, vector<1x128xf32>
    %add3A_24 = vector.broadcast %get3A_23 : vector<1x128xf32> to vector<640x128xf32>
    %add3A_25 = arith.addf %mul3A_20, %add3A_24 : vector<640x128xf32>
    %swap3A = arith.constant 0 : index
    %swap3A_26 = arith.constant 0 : index
    %swap3A_27 = vector.load %arg7[%swap3A, %swap3A_26] : memref<640x128xf32, #tpu.memory_space<vmem>>, vector<640x128xf32>
    tpu.vector_store %arg7[%swap3A, %swap3A_26], %add3A_25 {strides = array<i32>} : memref<640x128xf32, #tpu.memory_space<vmem>>, vector<640x128xf32>,
    %mul3A_28 = arith.constant 640 : i32
    %mul3A_29 = arith.muli %arg0, %mul3A_28 : i32
    %iota3A = tpu.iota {dimensions = array<i32: 0>} : vector<640x1xi32>
    %add3A_30 = vector.broadcast %mul3A_29 : i32 to vector<640x1xi32>
    %add3A_31 = arith.addi %add3A_30, %iota3A : vector<640x1xi32>
    %lt3A = arith.constant 10000 : i32
    %lt3A_32 = vector.broadcast %lt3A : i32 to vector<640x1xi32>
    %lt3A_33 = arith.cmpi slt, %add3A_31, %lt3A_32 : vector<640x1xi32>
    %jit3A_34 = arith.constant 0.000000e+00 : f32
    %broadcast_in_dim3A_35 = vector.shape_cast %lt3A_33 : vector<640x1xi1> to vector<640x1xi1>
    %broadcast_in_dim3A_36 = vector.broadcast %broadcast_in_dim3A_35 : vector<640x1xi1> to vector<640x128xi1>
    %broadcast_in_dim3A_37 = vector.broadcast %jit3A_34 : f32 to vector<640x128xf32>
    %select_n3A_38 = arith.select %broadcast_in_dim3A_36, %add3A_25, %broadcast_in_dim3A_37 : vector<640x128xi1>, vector<640x128xf32>
    %eq3A = arith.constant 0 : i32
    %eq3A_39 = arith.cmpi eq, %arg0, %eq3A : i32
    %convert_element_type3A = arith.extui %eq3A_39 : i1 to i32
    %cond3A = arith.constant 0 : i32
    %cond3A_40 = arith.cmpi ne, %convert_element_type3A, %cond3A : i32
    scf.if %cond3A_40 {
      %broadcast_in_dim3A_66 = arith.constant 0.000000e+00 : f32
      %broadcast_in_dim3A_67 = vector.broadcast %broadcast_in_dim3A_66 : f32 to vector<2x128xf32>
      %swap3A_68 = arith.constant 0 : index
      %swap3A_69 = arith.constant 0 : index
      %swap3A_70 = vector.load %arg9[%swap3A_68, %swap3A_69] : memref<2x128xf32, #tpu.memory_space<vmem>>, vector<2x128xf32>
      tpu.vector_store %arg9[%swap3A_68, %swap3A_69], %broadcast_in_dim3A_67 {strides = array<i32>} : memref<2x128xf32, #tpu.memory_space<vmem>>, vector<2x128xf32>,
    } else {
    }
    %get3A_41 = arith.constant 0 : index
    %get3A_42 = arith.constant 0 : index
    %get3A_43 = vector.load %arg9[%get3A_41, %get3A_42] : memref<2x128xf32, #tpu.memory_space<vmem>>, vector<1x128xf32>
    %reduce_sum3A = arith.constant dense<0.000000e+00> : vector<128xf32>
    %reduce_sum3A_44 = vector.multi_reduction <add>, %select_n3A_38, %reduce_sum3A [0] : vector<640x128xf32> to vector<128xf32>
    %broadcast_in_dim3A_45 = vector.shape_cast %reduce_sum3A_44 : vector<128xf32> to vector<1x128xf32>
    %add3A_46 = arith.addf %get3A_43, %broadcast_in_dim3A_45 : vector<1x128xf32>
    %swap3A_47 = arith.constant 0 : index
    %swap3A_48 = arith.constant 0 : index
    %swap3A_49 = vector.load %arg9[%swap3A_47, %swap3A_48] : memref<2x128xf32, #tpu.memory_space<vmem>>, vector<1x128xf32>
    tpu.vector_store %arg9[%swap3A_47, %swap3A_48], %add3A_46 {strides = array<i32>} : memref<2x128xf32, #tpu.memory_space<vmem>>, vector<1x128xf32>,
    %get3A_50 = arith.constant 1 : index
    %get3A_51 = arith.constant 0 : index
    %get3A_52 = vector.load %arg9[%get3A_50, %get3A_51] : memref<2x128xf32, #tpu.memory_space<vmem>>, vector<1x128xf32>
    %mul3A_53 = arith.mulf %select_n3A_38, %select_n3A_38 : vector<640x128xf32>
    %reduce_sum3A_54 = arith.constant dense<0.000000e+00> : vector<128xf32>
    %reduce_sum3A_55 = vector.multi_reduction <add>, %mul3A_53, %reduce_sum3A_54 [0] : vector<640x128xf32> to vector<128xf32>
    %broadcast_in_dim3A_56 = vector.shape_cast %reduce_sum3A_55 : vector<128xf32> to vector<1x128xf32>
    %add3A_57 = arith.addf %get3A_52, %broadcast_in_dim3A_56 : vector<1x128xf32>
    %swap3A_58 = arith.constant 1 : index
    %swap3A_59 = arith.constant 0 : index
    %swap3A_60 = vector.load %arg9[%swap3A_58, %swap3A_59] : memref<2x128xf32, #tpu.memory_space<vmem>>, vector<1x128xf32>
    tpu.vector_store %arg9[%swap3A_58, %swap3A_59], %add3A_57 {strides = array<i32>} : memref<2x128xf32, #tpu.memory_space<vmem>>, vector<1x128xf32>,
    %eq3A_61 = arith.constant 15 : i32
    %eq3A_62 = arith.cmpi eq, %arg0, %eq3A_61 : i32
    %convert_element_type3A_63 = arith.extui %eq3A_62 : i1 to i32
    %cond3A_64 = arith.constant 0 : i32
    %cond3A_65 = arith.cmpi ne, %convert_element_type3A_63, %cond3A_64 : i32
    scf.if %cond3A_65 {
      %get3A_66 = arith.constant 0 : index
      %get3A_67 = arith.constant 0 : index
      %get3A_68 = vector.load %arg9[%get3A_66, %get3A_67] : memref<2x128xf32, #tpu.memory_space<vmem>>, vector<1x128xf32>
      %div3A = arith.constant 1.000000e+04 : f32
      %div3A_69 = vector.broadcast %div3A : f32 to vector<1x128xf32>
      %div3A_70 = arith.divf %get3A_68, %div3A_69 : vector<1x128xf32>
      %get3A_71 = arith.constant 1 : index
      %get3A_72 = arith.constant 0 : index
      %get3A_73 = vector.load %arg9[%get3A_71, %get3A_72] : memref<2x128xf32, #tpu.memory_space<vmem>>, vector<1x128xf32>
      %div3A_74 = arith.constant 1.000000e+04 : f32
      %div3A_75 = vector.broadcast %div3A_74 : f32 to vector<1x128xf32>
      %div3A_76 = arith.divf %get3A_73, %div3A_75 : vector<1x128xf32>
      %mul3A_77 = arith.mulf %div3A_70, %div3A_70 : vector<1x128xf32>
      %sub3A = arith.subf %div3A_76, %mul3A_77 : vector<1x128xf32>
      %concatenate3A = tpu.concatenate %div3A_70, %sub3A in 0 : vector<1x128xf32>, vector<1x128xf32> -> vector<2x128xf32>
      %swap3A_78 = arith.constant 0 : index
      %swap3A_79 = arith.constant 0 : index
      %swap3A_80 = vector.load %arg8[%swap3A_78, %swap3A_79] : memref<2x128xf32, #tpu.memory_space<vmem>>, vector<2x128xf32>
      tpu.vector_store %arg8[%swap3A_78, %swap3A_79], %concatenate3A {strides = array<i32>} : memref<2x128xf32, #tpu.memory_space<vmem>>, vector<2x128xf32>,
    } else {
    }
    return
  }
  func.func @transform_0(%arg0: i32) -> (i32, i32) {
    %c0_i32 = arith.constant 0 : i32
    %c0_i32_0 = arith.constant 0 : i32
    return %arg0, %c0_i32 : i32, i32
  }
  func.func @transform_1(%arg0: i32) -> (i32, i32) {
    %c0_i32 = arith.constant 0 : i32
    %c0_i32_0 = arith.constant 0 : i32
    return %arg0, %c0_i32 : i32, i32
  }
  func.func @transform_2(%arg0: i32) -> (i32, i32) {
    %c0_i32 = arith.constant 0 : i32
    %c0_i32_0 = arith.constant 0 : i32
    return %arg0, %c0_i32 : i32, i32
  }
  func.func @transform_3(%arg0: i32) -> (i32, i32) {
    %c0_i32 = arith.constant 0 : i32
    %c0_i32_0 = arith.constant 0 : i32
    return %arg0, %c0_i32 : i32, i32
  }
  func.func @transform_4(%arg0: i32) -> (i32, i32) {
    %c0_i32 = arith.constant 0 : i32
    %c0_i32_0 = arith.constant 0 : i32
    return %arg0, %c0_i32 : i32, i32
  }
  func.func @transform_5(%arg0: i32) -> (i32, i32) {
    %c0_i32 = arith.constant 0 : i32
    %c0_i32_0 = arith.constant 0 : i32
    %c0_i32_1 = arith.constant 0 : i32
    return %c0_i32, %c0_i32_0 : i32, i32
  }
  func.func @transform_6(%arg0: i32) -> (i32, i32) {
    %c0_i32 = arith.constant 0 : i32
    %c0_i32_0 = arith.constant 0 : i32
    return %arg0, %c0_i32 : i32, i32
  }
  func.func @transform_7(%arg0: i32) -> (i32, i32) {
    %c0_i32 = arith.constant 0 : i32
    %c0_i32_0 = arith.constant 0 : i32
    %c0_i32_1 = arith.constant 0 : i32
    return %c0_i32, %c0_i32_0 : i32, i32
  }
}

module attributes {stable_mosaic.version = 14 : i64} {
  func.func @_tc_bn_matmul(%arg0: i32, %arg1: memref<640x128xf32, #tpu.memory_space<vmem>>, %arg2: memref<2x128xf32, #tpu.memory_space<vmem>>, %arg3: memref<1x128xf32, #tpu.memory_space<vmem>>, %arg4: memref<1x128xf32, #tpu.memory_space<vmem>>, %arg5: memref<128x128xf32, #tpu.memory_space<vmem>>, %arg6: memref<640x1xf32, #tpu.memory_space<vmem>>, %arg7: memref<640x1xf32, #tpu.memory_space<vmem>>, %arg8: memref<640x128xf32, #tpu.memory_space<vmem>>) attributes {dimension_semantics = [#tpu.dimension_semantics<arbitrary>], iteration_bounds = array<i64: 16>, scalar_prefetch = 0 : i64, scratch_operands = 0 : i64, tpu.core_type = #tpu.core_type<tc>, window_params = [{transform_indices = @transform_0, window_bounds = array<i64: 640, 128>}, {pipeline_mode = #tpu.pipeline_mode<synchronous>, transform_indices = @transform_1, window_bounds = array<i64: 2, 128>}, {pipeline_mode = #tpu.pipeline_mode<synchronous>, transform_indices = @transform_2, window_bounds = array<i64: 1, 128>}, {pipeline_mode = #tpu.pipeline_mode<synchronous>, transform_indices = @transform_3, window_bounds = array<i64: 1, 128>}, {pipeline_mode = #tpu.pipeline_mode<synchronous>, transform_indices = @transform_4, window_bounds = array<i64: 128, 128>}, {transform_indices = @transform_5, window_bounds = array<i64: 640, 1>}, {transform_indices = @transform_6, window_bounds = array<i64: 640, 1>}, {transform_indices = @transform_7, window_bounds = array<i64: 640, 128>}]} {
    %get3A = arith.constant 0 : index
    %get3A_0 = arith.constant 0 : index
    %get3A_1 = vector.load %arg1[%get3A, %get3A_0] : memref<640x128xf32, #tpu.memory_space<vmem>>, vector<640x128xf32>
    %get3A_2 = arith.constant 0 : index
    %get3A_3 = arith.constant 0 : index
    %get3A_4 = vector.load %arg2[%get3A_2, %get3A_3] : memref<2x128xf32, #tpu.memory_space<vmem>>, vector<1x128xf32>
    %get3A_5 = arith.constant 1 : index
    %get3A_6 = arith.constant 0 : index
    %get3A_7 = vector.load %arg2[%get3A_5, %get3A_6] : memref<2x128xf32, #tpu.memory_space<vmem>>, vector<1x128xf32>
    %get3A_8 = arith.constant 0 : index
    %get3A_9 = arith.constant 0 : index
    %get3A_10 = vector.load %arg3[%get3A_8, %get3A_9] : memref<1x128xf32, #tpu.memory_space<vmem>>, vector<1x128xf32>
    %sub3A = vector.broadcast %get3A_4 : vector<1x128xf32> to vector<640x128xf32>
    %sub3A_11 = arith.subf %get3A_1, %sub3A : vector<640x128xf32>
    %mul3A = vector.broadcast %get3A_10 : vector<1x128xf32> to vector<640x128xf32>
    %mul3A_12 = arith.mulf %mul3A, %sub3A_11 : vector<640x128xf32>
    %add3A = arith.constant 9.99999974E-6 : f32
    %add3A_13 = vector.broadcast %add3A : f32 to vector<1x128xf32>
    %add3A_14 = arith.addf %get3A_7, %add3A_13 : vector<1x128xf32>
    %rsqrt3A = math.rsqrt %add3A_14 : vector<1x128xf32>
    %mul3A_15 = vector.broadcast %rsqrt3A : vector<1x128xf32> to vector<640x128xf32>
    %mul3A_16 = arith.mulf %mul3A_12, %mul3A_15 : vector<640x128xf32>
    %get3A_17 = arith.constant 0 : index
    %get3A_18 = arith.constant 0 : index
    %get3A_19 = vector.load %arg4[%get3A_17, %get3A_18] : memref<1x128xf32, #tpu.memory_space<vmem>>, vector<1x128xf32>
    %add3A_20 = vector.broadcast %get3A_19 : vector<1x128xf32> to vector<640x128xf32>
    %add3A_21 = arith.addf %mul3A_16, %add3A_20 : vector<640x128xf32>
    %max3A = arith.constant 0.000000e+00 : f32
    %max3A_22 = vector.broadcast %max3A : f32 to vector<640x128xf32>
    %max3A_23 = arith.maximumf %add3A_21, %max3A_22 : vector<640x128xf32>
    %mul3A_24 = arith.constant 640 : i32
    %mul3A_25 = arith.muli %arg0, %mul3A_24 : i32
    %iota3A = tpu.iota {dimensions = array<i32: 0>} : vector<640x1xi32>
    %add3A_26 = vector.broadcast %mul3A_25 : i32 to vector<640x1xi32>
    %add3A_27 = arith.addi %add3A_26, %iota3A : vector<640x1xi32>
    %lt3A = arith.constant 10000 : i32
    %lt3A_28 = vector.broadcast %lt3A : i32 to vector<640x1xi32>
    %lt3A_29 = arith.cmpi slt, %add3A_27, %lt3A_28 : vector<640x1xi32>
    %jit3A = arith.constant 0.000000e+00 : f32
    %broadcast_in_dim3A = vector.shape_cast %lt3A_29 : vector<640x1xi1> to vector<640x1xi1>
    %broadcast_in_dim3A_30 = vector.broadcast %broadcast_in_dim3A : vector<640x1xi1> to vector<640x128xi1>
    %broadcast_in_dim3A_31 = vector.broadcast %jit3A : f32 to vector<640x128xf32>
    %select_n3A = arith.select %broadcast_in_dim3A_30, %max3A_23, %broadcast_in_dim3A_31 : vector<640x128xi1>, vector<640x128xf32>
    %get3A_32 = arith.constant 0 : index
    %get3A_33 = arith.constant 0 : index
    %get3A_34 = vector.load %arg5[%get3A_32, %get3A_33] : memref<128x128xf32, #tpu.memory_space<vmem>>, vector<128x128xf32>
    %dot_general3A = arith.constant dense<0.000000e+00> : vector<640x128xf32>
    %dot_general3A_35 = tpu.matmul %select_n3A, %get3A_34, %dot_general3A {dimension_numbers = #tpu.dot_dimension_numbers<[1], [0], [0], [1], [0, 0, 1, 1], [], []>, transpose_lhs_hint = false} : vector<640x128xf32>, vector<128x128xf32>, vector<640x128xf32> -> vector<640x128xf32>
    %get3A_36 = arith.constant 0 : index
    %get3A_37 = arith.constant 0 : index
    %get3A_38 = vector.load %arg6[%get3A_36, %get3A_37] : memref<640x1xf32, #tpu.memory_space<vmem>>, vector<640x1xf32>
    %get3A_39 = arith.constant 0 : index
    %get3A_40 = arith.constant 0 : index
    %get3A_41 = vector.load %arg7[%get3A_39, %get3A_40] : memref<640x1xf32, #tpu.memory_space<vmem>>, vector<640x1xf32>
    %add3A_42 = arith.addf %get3A_38, %get3A_41 : vector<640x1xf32>
    %gt3A = arith.constant 0.000000e+00 : f32
    %gt3A_43 = vector.broadcast %gt3A : f32 to vector<640x1xf32>
    %gt3A_44 = arith.cmpf ogt, %add3A_42, %gt3A_43 : vector<640x1xf32>
    %max3A_45 = arith.constant 9.99999968E-21 : f32
    %max3A_46 = vector.broadcast %max3A_45 : f32 to vector<640x1xf32>
    %max3A_47 = arith.maximumf %add3A_42, %max3A_46 : vector<640x1xf32>
    %rsqrt3A_48 = math.rsqrt %max3A_47 : vector<640x1xf32>
    %jit3A_49 = arith.constant 0.000000e+00 : f32
    %broadcast_in_dim3A_50 = vector.broadcast %jit3A_49 : f32 to vector<640x1xf32>
    %select_n3A_51 = arith.select %gt3A_44, %rsqrt3A_48, %broadcast_in_dim3A_50 : vector<640x1xi1>, vector<640x1xf32>
    %mul3A_52 = vector.broadcast %select_n3A_51 : vector<640x1xf32> to vector<640x128xf32>
    %mul3A_53 = arith.mulf %dot_general3A_35, %mul3A_52 : vector<640x128xf32>
    %swap3A = arith.constant 0 : index
    %swap3A_54 = arith.constant 0 : index
    %swap3A_55 = vector.load %arg8[%swap3A, %swap3A_54] : memref<640x128xf32, #tpu.memory_space<vmem>>, vector<640x128xf32>
    tpu.vector_store %arg8[%swap3A, %swap3A_54], %mul3A_53 {strides = array<i32>} : memref<640x128xf32, #tpu.memory_space<vmem>>, vector<640x128xf32>,
    return
  }
  func.func @transform_0(%arg0: i32) -> (i32, i32) {
    %c0_i32 = arith.constant 0 : i32
    %c0_i32_0 = arith.constant 0 : i32
    return %arg0, %c0_i32 : i32, i32
  }
  func.func @transform_1(%arg0: i32) -> (i32, i32) {
    %c0_i32 = arith.constant 0 : i32
    %c0_i32_0 = arith.constant 0 : i32
    %c0_i32_1 = arith.constant 0 : i32
    return %c0_i32, %c0_i32_0 : i32, i32
  }
  func.func @transform_2(%arg0: i32) -> (i32, i32) {
    %c0_i32 = arith.constant 0 : i32
    %c0_i32_0 = arith.constant 0 : i32
    %c0_i32_1 = arith.constant 0 : i32
    return %c0_i32, %c0_i32_0 : i32, i32
  }
  func.func @transform_3(%arg0: i32) -> (i32, i32) {
    %c0_i32 = arith.constant 0 : i32
    %c0_i32_0 = arith.constant 0 : i32
    %c0_i32_1 = arith.constant 0 : i32
    return %c0_i32, %c0_i32_0 : i32, i32
  }
  func.func @transform_4(%arg0: i32) -> (i32, i32) {
    %c0_i32 = arith.constant 0 : i32
    %c0_i32_0 = arith.constant 0 : i32
    %c0_i32_1 = arith.constant 0 : i32
    return %c0_i32, %c0_i32_0 : i32, i32
  }
  func.func @transform_5(%arg0: i32) -> (i32, i32) {
    %c0_i32 = arith.constant 0 : i32
    %c0_i32_0 = arith.constant 0 : i32
    return %arg0, %c0_i32 : i32, i32
  }
  func.func @transform_6(%arg0: i32) -> (i32, i32) {
    %c0_i32 = arith.constant 0 : i32
    %c0_i32_0 = arith.constant 0 : i32
    return %arg0, %c0_i32 : i32, i32
  }
  func.func @transform_7(%arg0: i32) -> (i32, i32) {
    %c0_i32 = arith.constant 0 : i32
    %c0_i32_0 = arith.constant 0 : i32
    return %arg0, %c0_i32 : i32, i32
  }
}

module attributes {stable_mosaic.version = 14 : i64} {
  func.func @_tc_pool(%arg0: i32, %arg1: memref<640x128xf32, #tpu.memory_space<vmem>>, %arg2: memref<2x128xf32, #tpu.memory_space<vmem>>, %arg3: memref<1x128xf32, #tpu.memory_space<vmem>>, %arg4: memref<1x128xf32, #tpu.memory_space<vmem>>, %arg5: memref<1x1x640xi32, #tpu.memory_space<vmem>>, %arg6: memref<64x128xf32, #tpu.memory_space<vmem>>, %arg7: memref<64x128xf32, #tpu.memory_space<vmem>>, %arg8: memref<64x128xf32, #tpu.memory_space<vmem>>) attributes {dimension_semantics = [#tpu.dimension_semantics<arbitrary>], iteration_bounds = array<i64: 16>, scalar_prefetch = 0 : i64, scratch_operands = 2 : i64, tpu.core_type = #tpu.core_type<tc>, window_params = [{transform_indices = @transform_0, window_bounds = array<i64: 640, 128>}, {pipeline_mode = #tpu.pipeline_mode<synchronous>, transform_indices = @transform_1, window_bounds = array<i64: 2, 128>}, {pipeline_mode = #tpu.pipeline_mode<synchronous>, transform_indices = @transform_2, window_bounds = array<i64: 1, 128>}, {pipeline_mode = #tpu.pipeline_mode<synchronous>, transform_indices = @transform_3, window_bounds = array<i64: 1, 128>}, {transform_indices = @transform_4, window_bounds = array<i64: 1, 1, 640>}, {pipeline_mode = #tpu.pipeline_mode<synchronous>, transform_indices = @transform_5, window_bounds = array<i64: 64, 128>}]} {
    %get3A = arith.constant 0 : index
    %get3A_0 = arith.constant 0 : index
    %get3A_1 = vector.load %arg1[%get3A, %get3A_0] : memref<640x128xf32, #tpu.memory_space<vmem>>, vector<640x128xf32>
    %get3A_2 = arith.constant 0 : index
    %get3A_3 = arith.constant 0 : index
    %get3A_4 = vector.load %arg2[%get3A_2, %get3A_3] : memref<2x128xf32, #tpu.memory_space<vmem>>, vector<1x128xf32>
    %get3A_5 = arith.constant 1 : index
    %get3A_6 = arith.constant 0 : index
    %get3A_7 = vector.load %arg2[%get3A_5, %get3A_6] : memref<2x128xf32, #tpu.memory_space<vmem>>, vector<1x128xf32>
    %get3A_8 = arith.constant 0 : index
    %get3A_9 = arith.constant 0 : index
    %get3A_10 = vector.load %arg3[%get3A_8, %get3A_9] : memref<1x128xf32, #tpu.memory_space<vmem>>, vector<1x128xf32>
    %sub3A = vector.broadcast %get3A_4 : vector<1x128xf32> to vector<640x128xf32>
    %sub3A_11 = arith.subf %get3A_1, %sub3A : vector<640x128xf32>
    %mul3A = vector.broadcast %get3A_10 : vector<1x128xf32> to vector<640x128xf32>
    %mul3A_12 = arith.mulf %mul3A, %sub3A_11 : vector<640x128xf32>
    %add3A = arith.constant 9.99999974E-6 : f32
    %add3A_13 = vector.broadcast %add3A : f32 to vector<1x128xf32>
    %add3A_14 = arith.addf %get3A_7, %add3A_13 : vector<1x128xf32>
    %rsqrt3A = math.rsqrt %add3A_14 : vector<1x128xf32>
    %mul3A_15 = vector.broadcast %rsqrt3A : vector<1x128xf32> to vector<640x128xf32>
    %mul3A_16 = arith.mulf %mul3A_12, %mul3A_15 : vector<640x128xf32>
    %get3A_17 = arith.constant 0 : index
    %get3A_18 = arith.constant 0 : index
    %get3A_19 = vector.load %arg4[%get3A_17, %get3A_18] : memref<1x128xf32, #tpu.memory_space<vmem>>, vector<1x128xf32>
    %add3A_20 = vector.broadcast %get3A_19 : vector<1x128xf32> to vector<640x128xf32>
    %add3A_21 = arith.addf %mul3A_16, %add3A_20 : vector<640x128xf32>
    %max3A = arith.constant 0.000000e+00 : f32
    %max3A_22 = vector.broadcast %max3A : f32 to vector<640x128xf32>
    %max3A_23 = arith.maximumf %add3A_21, %max3A_22 : vector<640x128xf32>
    %get3A_24 = arith.constant 0 : index
    %get3A_25 = arith.constant 0 : index
    %get3A_26 = arith.constant 0 : index
    %get3A_27 = vector.load %arg5[%get3A_24, %get3A_25, %get3A_26] : memref<1x1x640xi32, #tpu.memory_space<vmem>>, vector<1x1x640xi32>
    %get3A_28 = vector.shape_cast %get3A_27 : vector<1x1x640xi32> to vector<1x640xi32>
    %iota3A = tpu.iota {dimensions = array<i32: 0>} : vector<64x1xi32>
    %eq3A = vector.broadcast %get3A_28 : vector<1x640xi32> to vector<64x640xi32>
    %eq3A_29 = vector.broadcast %iota3A : vector<64x1xi32> to vector<64x640xi32>
    %eq3A_30 = arith.cmpi eq, %eq3A, %eq3A_29 : vector<64x640xi32>
    %convert_element_type3A = arith.extui %eq3A_30 : vector<64x640xi1> to vector<64x640xi32>
    %convert_element_type3A_31 = arith.sitofp %convert_element_type3A : vector<64x640xi32> to vector<64x640xf32>
    %eq3A_32 = arith.constant 0 : i32
    %eq3A_33 = arith.cmpi eq, %arg0, %eq3A_32 : i32
    %convert_element_type3A_34 = arith.extui %eq3A_33 : i1 to i32
    %cond3A = arith.constant 0 : i32
    %cond3A_35 = arith.cmpi ne, %convert_element_type3A_34, %cond3A : i32
    scf.if %cond3A_35 {
      %broadcast_in_dim3A_57 = arith.constant 0.000000e+00 : f32
      %broadcast_in_dim3A_58 = vector.broadcast %broadcast_in_dim3A_57 : f32 to vector<64x128xf32>
      %swap3A_59 = arith.constant 0 : index
      %swap3A_60 = arith.constant 0 : index
      %swap3A_61 = vector.load %arg7[%swap3A_59, %swap3A_60] : memref<64x128xf32, #tpu.memory_space<vmem>>, vector<64x128xf32>
      tpu.vector_store %arg7[%swap3A_59, %swap3A_60], %broadcast_in_dim3A_58 {strides = array<i32>} : memref<64x128xf32, #tpu.memory_space<vmem>>, vector<64x128xf32>,
      %broadcast_in_dim3A_62 = arith.constant 0.000000e+00 : f32
      %broadcast_in_dim3A_63 = vector.broadcast %broadcast_in_dim3A_62 : f32 to vector<64x128xf32>
      %swap3A_64 = arith.constant 0 : index
      %swap3A_65 = arith.constant 0 : index
      %swap3A_66 = vector.load %arg8[%swap3A_64, %swap3A_65] : memref<64x128xf32, #tpu.memory_space<vmem>>, vector<64x128xf32>
      tpu.vector_store %arg8[%swap3A_64, %swap3A_65], %broadcast_in_dim3A_63 {strides = array<i32>} : memref<64x128xf32, #tpu.memory_space<vmem>>, vector<64x128xf32>,
    } else {
    }
    %get3A_36 = arith.constant 0 : index
    %get3A_37 = arith.constant 0 : index
    %get3A_38 = vector.load %arg7[%get3A_36, %get3A_37] : memref<64x128xf32, #tpu.memory_space<vmem>>, vector<64x128xf32>
    %dot_general3A = arith.constant dense<0.000000e+00> : vector<64x128xf32>
    %dot_general3A_39 = tpu.matmul %convert_element_type3A_31, %max3A_23, %dot_general3A {dimension_numbers = #tpu.dot_dimension_numbers<[1], [0], [0], [1], [0, 0, 1, 1], [], []>, transpose_lhs_hint = false} : vector<64x640xf32>, vector<640x128xf32>, vector<64x128xf32> -> vector<64x128xf32>
    %add3A_40 = arith.addf %get3A_38, %dot_general3A_39 : vector<64x128xf32>
    %swap3A = arith.constant 0 : index
    %swap3A_41 = arith.constant 0 : index
    %swap3A_42 = vector.load %arg7[%swap3A, %swap3A_41] : memref<64x128xf32, #tpu.memory_space<vmem>>, vector<64x128xf32>
    tpu.vector_store %arg7[%swap3A, %swap3A_41], %add3A_40 {strides = array<i32>} : memref<64x128xf32, #tpu.memory_space<vmem>>, vector<64x128xf32>,
    %get3A_43 = arith.constant 0 : index
    %get3A_44 = arith.constant 0 : index
    %get3A_45 = vector.load %arg8[%get3A_43, %get3A_44] : memref<64x128xf32, #tpu.memory_space<vmem>>, vector<64x128xf32>
    %reduce_sum3A = arith.constant dense<0.000000e+00> : vector<64xf32>
    %reduce_sum3A_46 = vector.multi_reduction <add>, %convert_element_type3A_31, %reduce_sum3A [1] : vector<64x640xf32> to vector<64xf32>
    %broadcast_in_dim3A = vector.shape_cast %reduce_sum3A_46 : vector<64xf32> to vector<64x1xf32>
    %add3A_47 = vector.broadcast %broadcast_in_dim3A : vector<64x1xf32> to vector<64x128xf32>
    %add3A_48 = arith.addf %get3A_45, %add3A_47 : vector<64x128xf32>
    %swap3A_49 = arith.constant 0 : index
    %swap3A_50 = arith.constant 0 : index
    %swap3A_51 = vector.load %arg8[%swap3A_49, %swap3A_50] : memref<64x128xf32, #tpu.memory_space<vmem>>, vector<64x128xf32>
    tpu.vector_store %arg8[%swap3A_49, %swap3A_50], %add3A_48 {strides = array<i32>} : memref<64x128xf32, #tpu.memory_space<vmem>>, vector<64x128xf32>,
    %eq3A_52 = arith.constant 15 : i32
    %eq3A_53 = arith.cmpi eq, %arg0, %eq3A_52 : i32
    %convert_element_type3A_54 = arith.extui %eq3A_53 : i1 to i32
    %cond3A_55 = arith.constant 0 : i32
    %cond3A_56 = arith.cmpi ne, %convert_element_type3A_54, %cond3A_55 : i32
    scf.if %cond3A_56 {
      %get3A_57 = arith.constant 0 : index
      %get3A_58 = arith.constant 0 : index
      %get3A_59 = vector.load %arg7[%get3A_57, %get3A_58] : memref<64x128xf32, #tpu.memory_space<vmem>>, vector<64x128xf32>
      %get3A_60 = arith.constant 0 : index
      %get3A_61 = arith.constant 0 : index
      %get3A_62 = vector.load %arg8[%get3A_60, %get3A_61] : memref<64x128xf32, #tpu.memory_space<vmem>>, vector<64x128xf32>
      %max3A_63 = arith.constant 1.000000e+00 : f32
      %max3A_64 = vector.broadcast %max3A_63 : f32 to vector<64x128xf32>
      %max3A_65 = arith.maximumf %get3A_62, %max3A_64 : vector<64x128xf32>
      %div3A = arith.divf %get3A_59, %max3A_65 : vector<64x128xf32>
      %swap3A_66 = arith.constant 0 : index
      %swap3A_67 = arith.constant 0 : index
      %swap3A_68 = vector.load %arg6[%swap3A_66, %swap3A_67] : memref<64x128xf32, #tpu.memory_space<vmem>>, vector<64x128xf32>
      tpu.vector_store %arg6[%swap3A_66, %swap3A_67], %div3A {strides = array<i32>} : memref<64x128xf32, #tpu.memory_space<vmem>>, vector<64x128xf32>,
    } else {
    }
    return
  }
  func.func @transform_0(%arg0: i32) -> (i32, i32) {
    %c0_i32 = arith.constant 0 : i32
    %c0_i32_0 = arith.constant 0 : i32
    return %arg0, %c0_i32 : i32, i32
  }
  func.func @transform_1(%arg0: i32) -> (i32, i32) {
    %c0_i32 = arith.constant 0 : i32
    %c0_i32_0 = arith.constant 0 : i32
    %c0_i32_1 = arith.constant 0 : i32
    return %c0_i32, %c0_i32_0 : i32, i32
  }
  func.func @transform_2(%arg0: i32) -> (i32, i32) {
    %c0_i32 = arith.constant 0 : i32
    %c0_i32_0 = arith.constant 0 : i32
    %c0_i32_1 = arith.constant 0 : i32
    return %c0_i32, %c0_i32_0 : i32, i32
  }
  func.func @transform_3(%arg0: i32) -> (i32, i32) {
    %c0_i32 = arith.constant 0 : i32
    %c0_i32_0 = arith.constant 0 : i32
    %c0_i32_1 = arith.constant 0 : i32
    return %c0_i32, %c0_i32_0 : i32, i32
  }
  func.func @transform_4(%arg0: i32) -> (i32, i32, i32) {
    %c0_i32 = arith.constant 0 : i32
    %c0_i32_0 = arith.constant 0 : i32
    %c0_i32_1 = arith.constant 0 : i32
    return %arg0, %c0_i32, %c0_i32_0 : i32, i32, i32
  }
  func.func @transform_5(%arg0: i32) -> (i32, i32) {
    %c0_i32 = arith.constant 0 : i32
    %c0_i32_0 = arith.constant 0 : i32
    %c0_i32_1 = arith.constant 0 : i32
    return %c0_i32, %c0_i32_0 : i32, i32
  }
}

</mosaic_0001>

<sc_bundles>
// kernel: kernel.10.cloned.1.call-start
scs
__scs_entry_jumppad:
0x0: {  	(pc) =	sbr.rel $0x88, $3  }
0x1: {  	(tag) =	ssettag $0x0;
	lr =	simm.s32 $0x1  }
0x2: {  	[smem:$0x3F96] =	sst lr;
	_ =	strace $0xD0000000  }
0x3: {  	_ = 	snop  }
0x4: {  	_ = 	snop  }
0x5: {  	_ = 	snop  }
0x6: {  	_ = 	snop  }
0x7: {  	_ = 	snop  }
__scs_overlays_trampoline_lowered:
0x8: {  	[smem:$0x3FA5] =	sst s0  }
0x9: {  	[smem:$0x3FA6] =	sst s1  }
0xa: {  	[smem:$0x3FA7] =	sst s2  }
0xb: {  	[smem:$0x3FA8] =	sst s3  }
0xc: {  	[smem:$0x3FA9] =	sst s4  }
0xd: {  	[smem:$0x3FAA] =	sst s5  }
0xe: {  	[smem:$0x3FAB] =	sst s6  }
0xf: {  	[smem:$0x3FAC] =	sst s7  }
0x10: {  	[smem:$0x3FAD] =	sst s8  }
0x11: {  	[smem:$0x3FAE] =	sst s9;
	s0 =	simm.s32 @!p0 $0x0  }
0x12: {  	s1 =	sld [smem:$0x3F94];
	s0 =	simm.s32 @p0 $0x1  }
0x13: {  	[smem:$0x3FAF] =	sst s0;
	s0 =	simm.s32 @!p1 $0x0  }
0x14: {  	s2 =	sld [smem:$0x3F93];
	s0 =	simm.s32 @p1 $0x1  }
0x15: {  	[smem:$0x3FB0] =	sst s0;
	s0 =	simm.s32 @!p2 $0x0  }
0x16: {  	s3 =	sld [smem:$0x3FDB];
	s0 =	simm.s32 @p2 $0x1  }
0x17: {  	s4 =	simm.s32 $0x1BF5;
	[smem:$0x3FB2] =	sst s0  }
0x18: {  	s0 =	sld [smem:$0x3F95];
	_ =	swait.ge [sflag:s4], $0x0  }
0x19: {  	s7 =	sld [smem:$0x3F96]  }
0x1a: {  	s8 =	sadd.s32 $0xFFFFE003, lr  }
0x1b: {  	s9 =	sadd.s32 $0xFFFFFEF7, lr;
	s5 =	simm.s32 $0xFFFFFFFF;
	p2 =	slt.u32 s8, $0xFFFFF086  }
0x1c: {  	p1 =	slt.u32 s9, $0xF7A;
	s5 =	simm.s32 @!p2 $0x0  }
0x1d: {  	s5 =	simm.s32 @p1 $0x1;
	p0 =	seq.s32 s7, s2  }
0x1e: {  	s7 =	smul.u32 @!p0 $0xF7A, s2;
	p2 =	seq.s32 @!p0 s5, $0x0  }
0x1f: {  	s9 =	smul.u32 $0xF7A, s1;
	s8 =	simm.s32 @!p0 $0x1BF5;
	p2 =	por !p2, p0  }
0x20: {  	[sflag:s8] =	ssyncset.s32 @!p0 $0xFFFFF086;
	s6 =	sadd.s32 @!p0 s3, s7;
	s7 =	simm.s32 @!p0 $0x108  }
0x21: {  	s3 =	sadd.s32 s3, s9;
	s6 =	sadd.s32 @!p0 $0x88, s6;
	s7 =	simm.s32 @p2 $0x1082  }
0x22: {  	[simem:s7], [sflag:s8] =	dma.local @!p0 [hbm:s6], $0xF7A  }
0x23: {  	s9 =	sor.u32 $0xD0000000, s2;
	s6 =	simm.s32 $0x108;
	_ =	swait.ge @!p0 [sflag:s8], $0x0  }
0x24: {  	s3 =	sadd.s32 $0x88, s3;
	s6 =	simm.s32 @!p1 $0x1082;
	[sflag:s4] =	ssyncset.s32 $0xFFFFF086  }
0x25: {  	[simem:s6], [sflag:s4] =	dma.local [hbm:s3], $0xF7A  }
0x26: {  	[smem:$0x3F96] =	sst s1;
	(tag) =	ssettag s2;
	_ =	strace s9  }
0x27: {  	s1 =	sld [smem:$0x3FA6]  }
0x28: {  	s2 =	sld [smem:$0x3FA7]  }
0x29: {  	s4 =	sld [smem:$0x3FA9]  }
0x2a: {  	p0 =	seq.s32 s5, $0x0;
	s5 =	sld [smem:$0x3FAA]  }
0x2b: {  	s6 =	sld [smem:$0x3FAB]  }
0x2c: {  	s7 =	sld [smem:$0x3FAC]  }
0x2d: {  	s3 =	simm.s32 $0x108;
	s8 =	sld [smem:$0x3FAD]  }
0x2e: {  	s3 =	simm.s32 @!p0 $0x1082;
	s9 =	sld [smem:$0x3FAE]  }
0x2f: {  	lr =	sadd.s32 s0, s3;
	s0 =	sld [smem:$0x3FA5]  }
0x30: {  	s3 =	sld [smem:$0x3FA8]  }
0x31: {  	[smem:$0x3FB1] =	sst s10  }
0x32: {  	s10 =	sld [smem:$0x3FAF];
	_ =	sdelay $0x3  }
0x33: {  	p0 =	seq.s32 s10, $0x1;
	s10 =	sld [smem:$0x3FB1];
	_ =	sdelay $0x3  }
0x34: {  	[smem:$0x3FB1] =	sst s10  }
0x35: {  	s10 =	sld [smem:$0x3FB0];
	_ =	sdelay $0x3  }
0x36: {  	p1 =	seq.s32 s10, $0x1;
	s10 =	sld [smem:$0x3FB1];
	_ =	sdelay $0x3  }
0x37: {  	[smem:$0x3FB1] =	sst s10  }
0x38: {  	s10 =	sld [smem:$0x3FB2]  }
0x39: {  	_ = 	snop;
	(pc) =	sbr.ind lr, $3  }
0x3a: {  	_ = 	snop  }
0x3b: {  	_ = 	snop  }
0x3c: {  	p2 =	seq.s32 s10, $0x1;
	s10 =	sld [smem:$0x3FB1]  }
0x3d: {  	_ =	shalt  }
0x3e: {  	_ =	shalt  }
0x3f: {  	_ =	shalt  }
0x40: {  	_ =	shalt  }
0x41: {  	_ =	shalt  }
0x42: {  	_ =	shalt  }
0x43: {  	_ =	shalt  }
0x44: {  	_ =	shalt  }
0x45: {  	_ =	shalt  }
0x46: {  	_ =	shalt  }
0x47: {  	_ =	shalt  }
0x48: {  	_ =	shalt  }
0x49: {  	_ =	shalt  }
0x4a: {  	_ =	shalt  }
0x4b: {  	_ =	shalt  }
0x4c: {  	_ =	shalt  }
0x4d: {  	_ =	shalt  }
0x4e: {  	_ =	shalt  }
0x4f: {  	_ =	shalt  }
0x50: {  	_ =	shalt  }
0x51: {  	_ =	shalt  }
0x52: {  	_ =	shalt  }
0x53: {  	_ =	shalt  }
0x54: {  	_ =	shalt  }
0x55: {  	_ =	shalt  }
0x56: {  	_ =	shalt  }
0x57: {  	_ =	shalt  }
0x58: {  	_ =	shalt  }
0x59: {  	_ =	shalt  }
0x5a: {  	_ =	shalt  }
0x5b: {  	_ =	shalt  }
0x5c: {  	_ =	shalt  }
0x5d: {  	_ =	shalt  }
0x5e: {  	_ =	shalt  }
0x5f: {  	_ =	shalt  }
0x60: {  	_ =	shalt  }
0x61: {  	_ =	shalt  }
0x62: {  	_ =	shalt  }
0x63: {  	_ =	shalt  }
0x64: {  	_ =	shalt  }
0x65: {  	_ =	shalt  }
0x66: {  	_ =	shalt  }
0x67: {  	_ =	shalt  }
0x68: {  	_ =	shalt  }
0x69: {  	_ =	shalt  }
0x6a: {  	_ =	shalt  }
0x6b: {  	_ =	shalt  }
0x6c: {  	_ =	shalt  }
0x6d: {  	_ =	shalt  }
0x6e: {  	_ =	shalt  }
0x6f: {  	_ =	shalt  }
0x70: {  	_ =	shalt  }
0x71: {  	_ =	shalt  }
0x72: {  	_ =	shalt  }
0x73: {  	_ =	shalt  }
0x74: {  	_ =	shalt  }
0x75: {  	_ =	shalt  }
0x76: {  	_ =	shalt  }
0x77: {  	_ =	shalt  }
0x78: {  	_ =	shalt  }
0x79: {  	_ =	shalt  }
0x7a: {  	_ =	shalt  }
0x7b: {  	_ =	shalt  }
0x7c: {  	_ =	shalt  }
0x7d: {  	_ =	shalt  }
0x7e: {  	_ =	shalt  }
0x7f: {  	_ =	shalt  }
0x80: {  	_ =	shalt  }
0x81: {  	_ =	shalt  }
0x82: {  	_ =	shalt  }
0x83: {  	_ =	shalt  }
0x84: {  	_ =	shalt  }
0x85: {  	_ =	shalt  }
0x86: {  	_ =	shalt  }
0x87: {  	_ =	shalt  }
.Lfunc_end0:
.L_simem_size_0:
called_computation_lowered:
.L_overlay_start_0:
0x88: {  	s2 =	sld [smem:$0x3FD9]  }
0x89: {  	s3 =	sld [smem:$0x3FFE];
	_ =	sdelay $0x1  }
0x8a: {  	s1 =	srdreg.scid  }
0x8b: {  	s0 =	sand.u32 $0x1, s1  }
0x8c: {  	s16 =	sshll.u32 s0, $0xA;
	s2 =	sadd.s32 s3, s2  }
0x8d: {  	s2 =	sadd.s32 s2, s16  }
0x8e: {  	[smem:$0x3FBD] =	sst s2  }
0x8f: {  	_ = 	snop  }
0x90: {  	(tm) =	ssettm $0x1  }
0x91: {  	s17 =	sld [smem:$0x3FFB];
	_ =	sdelay $0x3  }
0x92: {  	_ =	strace s17  }
0x93: {  	s2 =	sld [smem:$0x3FFC];
	_ =	sdelay $0x3  }
0x94: {  	_ =	strace s2  }
0x95: {  	s2 =	sld [smem:$0x3FFD];
	_ =	sdelay $0x3  }
0x96: {  	_ =	strace s2  }
0x97: {  	_ =	strace $0x8FFFFFFF  }
0x98: {  	s18 =	sld [smem:$0x3FDB];
	_ =	sdelay $0x1  }
0x99: {  	s19 =	simm.s32 $_scs_section_size  }
0x9a: {  	s4 =	simm.s32 $_size__tile_overlayer_lowered;
	s5 =	simm.s32 $_tile_overlayer_lowered  }
0x9b: {  	s22 =	simm.s32 $0x1BFF;
	s21 =	sshll.u32 s5, $0x1;
	s2 =	sadd.s32 s19, s18  }
0x9c: {  	s6 =	simm.s32 $0x0;
	s20 =	sshll.u32 s4, $0x1;
	s4 =	sadd.s32 s21, s2  }
0x9d: {  	[timem:s6], [sflag:s22] =	dma.local [hbm:s4], s20  }
0x9e: {  	_ =	swait.ge [sflag:s22], s20  }
0x9f: {  	s3 =	ssub.s32 $0x0, s20;
	[sflag:s22] =	ssyncset.done $0x0  }
0xa0: {  	[sflag:s22] =	ssyncadd.s32 s3;
	_ =	sdelay $0x1  }
0xa1: {  	s23 =	simm.s32 $0x1B8B  }
0xa2: {  	_ =	swait.ge [sflag:s23], $0x1  }
0xa3: {  	[sflag:s23] =	ssyncset.done $0x0  }
0xa4: {  	s25 =	simm.s32 $0x1B8E;
	s24 =	sld [smem:$0x3FFE];
	[sflag:s23] =	ssyncadd.s32 $0xFFFFFFFF  }
0xa5: {  	s26 =	simm.s32 $execute0_lowered;
	[smem:$0x3FD2] =	sst s25  }
0xa6: {  	s4 =	sshll.u32 s26, $0x1;
	_ =	strace $0x80000046;
	[dreg:$0x1] =	wrdreg $0xFFFFFFFF  }
0xa7: {  	s28 =	simm.s32 $_size_execute0_lowered;
	s2 =	sadd.s32 s2, s4;
	[dreg:$0x0] =	wrdreg $0x0  }
0xa8: {  	s4 =	sshll.u32 s28, $0x1;
	[dreg:$0x2] =	wrdreg s2  }
0xa9: {  	[dreg:$0x3] =	wrdreg s4  }
0xaa: {  	[dreg:$0x4] =	wrdreg $0xC0  }
0xab: {  	_ =	task [dreg:s6], $0x5FFFF  }
0xac: {  	[dreg:$0x1] =	wrdreg $0xFFFFFFFF  }
0xad: {  	[dreg:$0x0] =	wrdreg $0x60  }
0xae: {  	[dreg:$0x2] =	wrdreg s24  }
0xaf: {  	[dreg:$0x3] =	wrdreg $0x28800  }
0xb0: {  	[dreg:$0x4] =	wrdreg $0x9  }
0xb1: {  	_ =	task.clear_ibuf [dreg:s6], $0x5FFFF;
	_ =	strace $0x90000046  }
0xb2: {  	s29 =	simm.s32 $0x9;
	_ =	strace $0x80000048  }
0xb3: {  	_ =	swait.ge [sflag:s29], $0x1  }
0xb4: {  	[sflag:s29] =	ssyncadd.s32 $0xFFFFFFFF  }
0xb5: {  	_ =	strace $0x90000048  }
0xb6: {  	_ =	sfence  }
0xb7: {  	s30 =	sld [smem:$0x0];
	_ =	sdelay $0x2  }
0xb8: {  	s31 =	sshll.u32 s1, $0xD;
	s1 =	sshrl.u32 s1, $0x2  }
0xb9: {  	s3 =	sand.u32 $0x4000, s31;
	s1 =	sadd.s32 s1, s30  }
0xba: {  	s0 =	sor.u32 s3, s0;
	s1 =	sshll.u32 s1, $0x11  }
0xbb: {  	s0 =	sor.u32 s1, s0  }
0xbc: {  	s0 =	sadd.s32 $0x8F2B, s0  }
0xbd: {  	[sflag:s0] =	ssyncadd.remote.s32 $0x1  }
0xbe: {  	_ =	sfence.sel $0xFFFF  }
0xbf: {  	[dreg:$0x0] =	wrdreg $0xFFFFFFFF;
	(pc) =	sbr.abs _section_cstart, $3  }
0xc0: {  	[dreg:$0x1] =	wrdreg $0xFFFFFFFF  }
0xc1: {  	_ =	task.clear_ibuf [dreg:s6], $0x2FFFF;
	_ =	strace $0x9FFFFFFF  }
0xc2: {  	(tm) =	ssettm $0x7FFFFFFF  }
0xc3: {  	_ =	shalt  }
tec
execute0_lowered:
.L_overlay_start_1:
0x0: {  	(tag) =	ssettag $0x1  }
0x1: {  	s0 =	srdreg.scid;
	s5 =	rddreg [dreg:$0x0]  }
0x2: {  	s2 =	rddreg [dreg:$0x1];
	s3 =	simm.s32 $0x0;
	s12 =	simm.s32 $0x2800  }
0x3: {  	s13 =	simm.s32 $0x0;
	s4 =	sand.u32 $0x1, s0;
	s0 =	stileid.u32  }
0x4: {  	[smem:$0x7FF] =	sst s3;
	s1 =	sshll.u32 s4, $0x4;
	s7 =	smul.u32 $0x280, s0  }
0x5: {  	s8 =	smul.u32 $0x2800, s4;
	s4 =	ssub.s32 $0x2, s4;
	s1 =	sor.u32 s0, s1  }
0x6: {  	s31 =	sshll.u32 s0, $0x6;
	s10 =	sshrl.u32 s4, $0x1;
	s6 =	smul.u32 $0x500, s1  }
0x7: {  	s1 =	rddreg [dreg:$0x2];
	_ =	strace $0x80000047;
	s8 =	sadd.s32 s7, s8  }
0x8: {  	s9 =	sshrl.u32 s7, $0x3;
	s10 =	ssub.s32 s4, s10;
	s11 =	sadd.s32 s7, s2  }
0x9: {  	s8 =	sshrl.u32 s8, $0x3;
	s9 =	sadd.s32 s9, s5;
	s7 =	smax.u32 s10, $0x1  }
0xa: {  	s10 =	sshrl.u32 s11, $0x3;
	s11 =	simm.s32 $0x80;
	s6 =	sadd.s32 s6, s5  }
0xb: {  	s8 =	sadd.s32 s8, s5;
	s5 =	sadd.s32 $0x19800, s9;
	s9 =	sor.u32 $0x1C01, s31  }
0xc: {  	v0 =	vimm.f32 $1.000000000e+00;
	s4 =	sadd.s32 $0xF800, s6;
	s6 =	sadd.s32 $0x19E00, s8;
	s8 =	simm.s32 $0x1  }
.LBB2_1:
0xd: {  	[tilespmem:s3], [sflag:$0x1] =	stream.linear.gather [hbm4b:s4+s3], $0x2800, $0x38;
	[tilespmem:$0x2B00] =	vst v63  }
0xe: {  	_ =	swait.ge [sflag:s8], $0x2800  }
0xf: {  	[sflag:s8] =	ssyncset.done $0x0  }
0x10: {  	[sflag:s8] =	ssyncadd.s32 $0xFFFFD800  }
0x11: {  	[tilespmem:$0x2800] =	vst v0  }
0x12: {  	[tilespmem:$0x2810] =	vst v0  }
0x13: {  	[tilespmem:$0x2820] =	vst v0  }
0x14: {  	[tilespmem:$0x2830] =	vst v0  }
0x15: {  	[tilespmem:$0x2840] =	vst v0  }
0x16: {  	[tilespmem:$0x2850] =	vst v0  }
0x17: {  	[tilespmem:$0x2860] =	vst v0  }
0x18: {  	[tilespmem:$0x2870] =	vst v0  }
0x19: {  	[spmem:s10], [sflag:s9] =	dma.local [hbm:s5], $0x50  }
0x1a: {  	_ =	swait.ge [sflag:s8], $0x50  }
0x1b: {  	[sflag:s8] =	ssyncset.done $0x0  }
0x1c: {  	[sflag:s8] =	ssyncadd.s32 $0xFFFFFFB0  }
0x1d: {  	s14 =	simm.s32 $0x0;
	[bflag:$0x0] =	sbarrier.arrive $0xFFFF  }
0x1e: {  	[spmem:s2] =	stream.indirect.scatter.add.f32 [tilespmem:s12], [sflag:$0x1], $0x1, s14, s11, $0xb8;
	[tilespmem:$0x2B00] =	vst v63  }
0x1f: {  	_ =	swait.ge [sflag:s8], $0x80  }
0x20: {  	s14 =	simm.s32 $0x200;
	[sflag:s8] =	ssyncset.done $0x0  }
.LBB2_2:
0x21: {  	s15 =	sshra.s32 s14, $0x2;
	[sflag:s8] =	ssyncadd.s32 $0xFFFFFF80;
	p0 =	sne.s32 s14, $0x9E00  }
0x22: {  	[spmem:s2] =	stream.indirect.scatter.add.f32 [tilespmem:s12], [sflag:$0x1], $0x1, s15, s11, $0xb8;
	[tilespmem:$0x2B00] =	vst v63  }
.Ltmp0:
0x23: {  	_ = 	snop;
	(pc) =	sbr.rel @p0 .LBB2_2-.Ltmp0, $4  }
0x24: {  	_ = 	snop  }
0x25: {  	s14 =	sadd.s32 $0x200, s14  }
0x26: {  	_ =	swait.ge [sflag:s8], $0x80  }
0x27: {  	[sflag:s8] =	ssyncset.done $0x0  }
0x28: {  	s13 =	sadd.s32 $0x1, s13  }
0x29: {  	[sflag:s8] =	ssyncadd.s32 $0xFFFFFF80;
	p0 =	sne.s32 s13, s7  }
.Ltmp1:
0x2a: {  	[bflag:$0x0] =	sbarrier.arrive $0xFFFF;
	(pc) =	sbr.rel @p0 .LBB2_1-.Ltmp1, $4  }
0x2b: {  	[hbm:s6], [sflag:s9] =	dma.local [spmem:s10], $0x50  }
0x2c: {  	_ =	swait.ge [sflag:s8], $0x50  }
0x2d: {  	[sflag:s8] =	ssyncset.done $0x0  }
0x2e: {  	[sflag:s8] =	ssyncadd.s32 $0xFFFFFFB0  }
0x2f: {  	_ =	sfence.sel $0x180000  }
0x30: {  	[bflag:$0x0] =	sbarrier.arrive $0xFFFF  }
0x31: {  	p0 =	sne.s32 s0, $0x0;
	_ =	strace $0x90000047  }
0x32: {  	s0 =	sadd.s32 @!p0 $0x100000, s1;
	[bflag:$0x2] =	sbarrier.arrive $0xFFFF  }
0x33: {  	[sflag:s0] =	ssyncadd.tile.s32 @!p0 $0x1;
	_ =	shalt  }
.Lfunc_end2:
_tile_overlayer_lowered:
.L_overlay_start_2:
0x34: {  	(tag) =	ssettag $0x2  }
0x35: {  	s0 =	rddreg [dreg:$0x0];
	s2 =	stileid.u32  }
0x36: {  	s1 =	rddreg [dreg:$0x1];
	p0 =	sne.s32 s2, $0x0  }
0x37: {  	s3 =	rddreg [dreg:$0x2];
	[bflag:$0x3] =	sbarrier.arrive $0xFFFF;
	s2 =	simm.s32 @!p0 $0x1C01  }
0x38: {  	[timem:s3], [sflag:s2] =	dma.local @!p0 [hbm:s0], s1  }
0x39: {  	s0 =	simm.s32 @!p0 $0x1  }
0x3a: {  	_ =	swait.ge @!p0 [sflag:s0], s1  }
0x3b: {  	s1 =	ssub.s32 @!p0 $0x0, s1;
	[sflag:s0] =	ssyncset.done @!p0 $0x0  }
0x3c: {  	[sflag:s0] =	ssyncadd.s32 @!p0 s1  }
0x3d: {  	[bflag:$0x3] =	sbarrier.arrive $0xFFFF  }
0x3e: {  	_ =	shalt  }

// kernel: kernel.13.cloned.1.call-start
scs
__scs_entry_jumppad:
0x0: {  	(pc) =	sbr.rel $0x88, $3  }
0x1: {  	(tag) =	ssettag $0x0;
	lr =	simm.s32 $0x1  }
0x2: {  	[smem:$0x3F96] =	sst lr;
	_ =	strace $0xD0000000  }
0x3: {  	_ = 	snop  }
0x4: {  	_ = 	snop  }
0x5: {  	_ = 	snop  }
0x6: {  	_ = 	snop  }
0x7: {  	_ = 	snop  }
__scs_overlays_trampoline_lowered:
0x8: {  	[smem:$0x3FA5] =	sst s0  }
0x9: {  	[smem:$0x3FA6] =	sst s1  }
0xa: {  	[smem:$0x3FA7] =	sst s2  }
0xb: {  	[smem:$0x3FA8] =	sst s3  }
0xc: {  	[smem:$0x3FA9] =	sst s4  }
0xd: {  	[smem:$0x3FAA] =	sst s5  }
0xe: {  	[smem:$0x3FAB] =	sst s6  }
0xf: {  	[smem:$0x3FAC] =	sst s7  }
0x10: {  	[smem:$0x3FAD] =	sst s8  }
0x11: {  	[smem:$0x3FAE] =	sst s9;
	s0 =	simm.s32 @!p0 $0x0  }
0x12: {  	s1 =	sld [smem:$0x3F94];
	s0 =	simm.s32 @p0 $0x1  }
0x13: {  	[smem:$0x3FAF] =	sst s0;
	s0 =	simm.s32 @!p1 $0x0  }
0x14: {  	s2 =	sld [smem:$0x3F93];
	s0 =	simm.s32 @p1 $0x1  }
0x15: {  	[smem:$0x3FB0] =	sst s0;
	s0 =	simm.s32 @!p2 $0x0  }
0x16: {  	s3 =	sld [smem:$0x3FDB];
	s0 =	simm.s32 @p2 $0x1  }
0x17: {  	s4 =	simm.s32 $0x1BF5;
	[smem:$0x3FB2] =	sst s0  }
0x18: {  	s0 =	sld [smem:$0x3F95];
	_ =	swait.ge [sflag:s4], $0x0  }
0x19: {  	s7 =	sld [smem:$0x3F96]  }
0x1a: {  	s8 =	sadd.s32 $0xFFFFE003, lr  }
0x1b: {  	s9 =	sadd.s32 $0xFFFFFEF7, lr;
	s5 =	simm.s32 $0xFFFFFFFF;
	p2 =	slt.u32 s8, $0xFFFFF086  }
0x1c: {  	p1 =	slt.u32 s9, $0xF7A;
	s5 =	simm.s32 @!p2 $0x0  }
0x1d: {  	s5 =	simm.s32 @p1 $0x1;
	p0 =	seq.s32 s7, s2  }
0x1e: {  	s7 =	smul.u32 @!p0 $0xF7A, s2;
	p2 =	seq.s32 @!p0 s5, $0x0  }
0x1f: {  	s9 =	smul.u32 $0xF7A, s1;
	s8 =	simm.s32 @!p0 $0x1BF5;
	p2 =	por !p2, p0  }
0x20: {  	[sflag:s8] =	ssyncset.s32 @!p0 $0xFFFFF086;
	s6 =	sadd.s32 @!p0 s3, s7;
	s7 =	simm.s32 @!p0 $0x108  }
0x21: {  	s3 =	sadd.s32 s3, s9;
	s6 =	sadd.s32 @!p0 $0x88, s6;
	s7 =	simm.s32 @p2 $0x1082  }
0x22: {  	[simem:s7], [sflag:s8] =	dma.local @!p0 [hbm:s6], $0xF7A  }
0x23: {  	s9 =	sor.u32 $0xD0000000, s2;
	s6 =	simm.s32 $0x108;
	_ =	swait.ge @!p0 [sflag:s8], $0x0  }
0x24: {  	s3 =	sadd.s32 $0x88, s3;
	s6 =	simm.s32 @!p1 $0x1082;
	[sflag:s4] =	ssyncset.s32 $0xFFFFF086  }
0x25: {  	[simem:s6], [sflag:s4] =	dma.local [hbm:s3], $0xF7A  }
0x26: {  	[smem:$0x3F96] =	sst s1;
	(tag) =	ssettag s2;
	_ =	strace s9  }
0x27: {  	s1 =	sld [smem:$0x3FA6]  }
0x28: {  	s2 =	sld [smem:$0x3FA7]  }
0x29: {  	s4 =	sld [smem:$0x3FA9]  }
0x2a: {  	p0 =	seq.s32 s5, $0x0;
	s5 =	sld [smem:$0x3FAA]  }
0x2b: {  	s6 =	sld [smem:$0x3FAB]  }
0x2c: {  	s7 =	sld [smem:$0x3FAC]  }
0x2d: {  	s3 =	simm.s32 $0x108;
	s8 =	sld [smem:$0x3FAD]  }
0x2e: {  	s3 =	simm.s32 @!p0 $0x1082;
	s9 =	sld [smem:$0x3FAE]  }
0x2f: {  	lr =	sadd.s32 s0, s3;
	s0 =	sld [smem:$0x3FA5]  }
0x30: {  	s3 =	sld [smem:$0x3FA8]  }
0x31: {  	[smem:$0x3FB1] =	sst s10  }
0x32: {  	s10 =	sld [smem:$0x3FAF];
	_ =	sdelay $0x3  }
0x33: {  	p0 =	seq.s32 s10, $0x1;
	s10 =	sld [smem:$0x3FB1];
	_ =	sdelay $0x3  }
0x34: {  	[smem:$0x3FB1] =	sst s10  }
0x35: {  	s10 =	sld [smem:$0x3FB0];
	_ =	sdelay $0x3  }
0x36: {  	p1 =	seq.s32 s10, $0x1;
	s10 =	sld [smem:$0x3FB1];
	_ =	sdelay $0x3  }
0x37: {  	[smem:$0x3FB1] =	sst s10  }
0x38: {  	s10 =	sld [smem:$0x3FB2]  }
0x39: {  	_ = 	snop;
	(pc) =	sbr.ind lr, $3  }
0x3a: {  	_ = 	snop  }
0x3b: {  	_ = 	snop  }
0x3c: {  	p2 =	seq.s32 s10, $0x1;
	s10 =	sld [smem:$0x3FB1]  }
0x3d: {  	_ =	shalt  }
0x3e: {  	_ =	shalt  }
0x3f: {  	_ =	shalt  }
0x40: {  	_ =	shalt  }
0x41: {  	_ =	shalt  }
0x42: {  	_ =	shalt  }
0x43: {  	_ =	shalt  }
0x44: {  	_ =	shalt  }
0x45: {  	_ =	shalt  }
0x46: {  	_ =	shalt  }
0x47: {  	_ =	shalt  }
0x48: {  	_ =	shalt  }
0x49: {  	_ =	shalt  }
0x4a: {  	_ =	shalt  }
0x4b: {  	_ =	shalt  }
0x4c: {  	_ =	shalt  }
0x4d: {  	_ =	shalt  }
0x4e: {  	_ =	shalt  }
0x4f: {  	_ =	shalt  }
0x50: {  	_ =	shalt  }
0x51: {  	_ =	shalt  }
0x52: {  	_ =	shalt  }
0x53: {  	_ =	shalt  }
0x54: {  	_ =	shalt  }
0x55: {  	_ =	shalt  }
0x56: {  	_ =	shalt  }
0x57: {  	_ =	shalt  }
0x58: {  	_ =	shalt  }
0x59: {  	_ =	shalt  }
0x5a: {  	_ =	shalt  }
0x5b: {  	_ =	shalt  }
0x5c: {  	_ =	shalt  }
0x5d: {  	_ =	shalt  }
0x5e: {  	_ =	shalt  }
0x5f: {  	_ =	shalt  }
0x60: {  	_ =	shalt  }
0x61: {  	_ =	shalt  }
0x62: {  	_ =	shalt  }
0x63: {  	_ =	shalt  }
0x64: {  	_ =	shalt  }
0x65: {  	_ =	shalt  }
0x66: {  	_ =	shalt  }
0x67: {  	_ =	shalt  }
0x68: {  	_ =	shalt  }
0x69: {  	_ =	shalt  }
0x6a: {  	_ =	shalt  }
0x6b: {  	_ =	shalt  }
0x6c: {  	_ =	shalt  }
0x6d: {  	_ =	shalt  }
0x6e: {  	_ =	shalt  }
0x6f: {  	_ =	shalt  }
0x70: {  	_ =	shalt  }
0x71: {  	_ =	shalt  }
0x72: {  	_ =	shalt  }
0x73: {  	_ =	shalt  }
0x74: {  	_ =	shalt  }
0x75: {  	_ =	shalt  }
0x76: {  	_ =	shalt  }
0x77: {  	_ =	shalt  }
0x78: {  	_ =	shalt  }
0x79: {  	_ =	shalt  }
0x7a: {  	_ =	shalt  }
0x7b: {  	_ =	shalt  }
0x7c: {  	_ =	shalt  }
0x7d: {  	_ =	shalt  }
0x7e: {  	_ =	shalt  }
0x7f: {  	_ =	shalt  }
0x80: {  	_ =	shalt  }
0x81: {  	_ =	shalt  }
0x82: {  	_ =	shalt  }
0x83: {  	_ =	shalt  }
0x84: {  	_ =	shalt  }
0x85: {  	_ =	shalt  }
0x86: {  	_ =	shalt  }
0x87: {  	_ =	shalt  }
.Lfunc_end0:
.L_simem_size_0:
called_computation.1_lowered:
.L_overlay_start_0:
0x88: {  	s2 =	sld [smem:$0x3FD9]  }
0x89: {  	s3 =	sld [smem:$0x3FFE];
	_ =	sdelay $0x1  }
0x8a: {  	s1 =	srdreg.scid  }
0x8b: {  	s0 =	sand.u32 $0x1, s1  }
0x8c: {  	s16 =	sshll.u32 s0, $0xA;
	s2 =	sadd.s32 s3, s2  }
0x8d: {  	s2 =	sadd.s32 s2, s16  }
0x8e: {  	[smem:$0x3FBD] =	sst s2  }
0x8f: {  	_ = 	snop  }
0x90: {  	(tm) =	ssettm $0x1  }
0x91: {  	s17 =	sld [smem:$0x3FFB];
	_ =	sdelay $0x3  }
0x92: {  	_ =	strace s17  }
0x93: {  	s2 =	sld [smem:$0x3FFC];
	_ =	sdelay $0x3  }
0x94: {  	_ =	strace s2  }
0x95: {  	s2 =	sld [smem:$0x3FFD];
	_ =	sdelay $0x3  }
0x96: {  	_ =	strace s2  }
0x97: {  	_ =	strace $0x8FFFFFFF  }
0x98: {  	s18 =	sld [smem:$0x3FDB];
	_ =	sdelay $0x1  }
0x99: {  	s19 =	simm.s32 $_scs_section_size  }
0x9a: {  	s4 =	simm.s32 $_size__tile_overlayer_lowered;
	s5 =	simm.s32 $_tile_overlayer_lowered  }
0x9b: {  	s22 =	simm.s32 $0x1BFF;
	s21 =	sshll.u32 s5, $0x1;
	s2 =	sadd.s32 s19, s18  }
0x9c: {  	s6 =	simm.s32 $0x0;
	s20 =	sshll.u32 s4, $0x1;
	s4 =	sadd.s32 s21, s2  }
0x9d: {  	[timem:s6], [sflag:s22] =	dma.local [hbm:s4], s20  }
0x9e: {  	_ =	swait.ge [sflag:s22], s20  }
0x9f: {  	s3 =	ssub.s32 $0x0, s20;
	[sflag:s22] =	ssyncset.done $0x0  }
0xa0: {  	[sflag:s22] =	ssyncadd.s32 s3;
	_ =	sdelay $0x1  }
0xa1: {  	s23 =	simm.s32 $0x1B8B  }
0xa2: {  	_ =	swait.ge [sflag:s23], $0x1  }
0xa3: {  	[sflag:s23] =	ssyncset.done $0x0  }
0xa4: {  	s25 =	simm.s32 $0x1B8E;
	s24 =	sld [smem:$0x3FFE];
	[sflag:s23] =	ssyncadd.s32 $0xFFFFFFFF  }
0xa5: {  	s26 =	simm.s32 $execute0_lowered;
	[smem:$0x3FD2] =	sst s25  }
0xa6: {  	s4 =	sshll.u32 s26, $0x1;
	_ =	strace $0x80000049;
	[dreg:$0x1] =	wrdreg $0xFFFFFFFF  }
0xa7: {  	s28 =	simm.s32 $_size_execute0_lowered;
	s2 =	sadd.s32 s2, s4;
	[dreg:$0x0] =	wrdreg $0x0  }
0xa8: {  	s4 =	sshll.u32 s28, $0x1;
	[dreg:$0x2] =	wrdreg s2  }
0xa9: {  	[dreg:$0x3] =	wrdreg s4  }
0xaa: {  	[dreg:$0x4] =	wrdreg $0xC0  }
0xab: {  	_ =	task [dreg:s6], $0x5FFFF  }
0xac: {  	[dreg:$0x1] =	wrdreg $0xFFFFFFFF  }
0xad: {  	[dreg:$0x0] =	wrdreg $0x60  }
0xae: {  	[dreg:$0x2] =	wrdreg s24  }
0xaf: {  	[dreg:$0x3] =	wrdreg $0x90000  }
0xb0: {  	[dreg:$0x4] =	wrdreg $0x9  }
0xb1: {  	_ =	task.clear_ibuf [dreg:s6], $0x5FFFF;
	_ =	strace $0x90000049  }
0xb2: {  	s29 =	simm.s32 $0x9;
	_ =	strace $0x8000004B  }
0xb3: {  	_ =	swait.ge [sflag:s29], $0x1  }
0xb4: {  	[sflag:s29] =	ssyncadd.s32 $0xFFFFFFFF  }
0xb5: {  	_ =	strace $0x9000004B  }
0xb6: {  	_ =	sfence  }
0xb7: {  	s30 =	sld [smem:$0x0];
	_ =	sdelay $0x2  }
0xb8: {  	s31 =	sshll.u32 s1, $0xD;
	s1 =	sshrl.u32 s1, $0x2  }
0xb9: {  	s3 =	sand.u32 $0x4000, s31;
	s1 =	sadd.s32 s1, s30  }
0xba: {  	s0 =	sor.u32 s3, s0;
	s1 =	sshll.u32 s1, $0x11  }
0xbb: {  	s0 =	sor.u32 s1, s0  }
0xbc: {  	s0 =	sadd.s32 $0x8F2B, s0  }
0xbd: {  	[sflag:s0] =	ssyncadd.remote.s32 $0x1  }
0xbe: {  	_ =	sfence.sel $0xFFFF  }
0xbf: {  	[dreg:$0x0] =	wrdreg $0xFFFFFFFF;
	(pc) =	sbr.abs _section_cstart, $3  }
0xc0: {  	[dreg:$0x1] =	wrdreg $0xFFFFFFFF  }
0xc1: {  	_ =	task.clear_ibuf [dreg:s6], $0x2FFFF;
	_ =	strace $0x9FFFFFFF  }
0xc2: {  	(tm) =	ssettm $0x7FFFFFFF  }
0xc3: {  	_ =	shalt  }
tec
execute0_lowered:
.L_overlay_start_1:
0x0: {  	(tag) =	ssettag $0x1  }
0x1: {  	s0 =	srdreg.scid;
	s6 =	rddreg [dreg:$0x0]  }
0x2: {  	s2 =	rddreg [dreg:$0x1];
	s3 =	simm.s32 $0x0;
	s14 =	simm.s32 $0x80  }
0x3: {  	s15 =	simm.s32 $0x5000;
	s5 =	sand.u32 $0x1, s0;
	s0 =	stileid.u32  }
0x4: {  	s16 =	simm.s32 $0x1;
	s17 =	simm.s32 $0x0;
	s8 =	smul.u32 $0x2800, s0  }
0x5: {  	[smem:$0x7FF] =	sst s3;
	s1 =	sshll.u32 s5, $0x4;
	s9 =	smul.u32 $0x28000, s5  }
0x6: {  	s10 =	ssub.s32 $0x2, s5;
	s11 =	smul.u32 $0x50000, s0;
	s5 =	sadd.s32 $0x91800, s6  }
0x7: {  	s12 =	sshll.u32 s0, $0x6;
	s4 =	sor.u32 s0, s1;
	s1 =	rddreg [dreg:$0x2]  }
0x8: {  	_ =	strace $0x8000004A;
	s30 =	sshrl.u32 s10, $0x1;
	s12 =	sor.u32 $0x1C02, s12  }
0x9: {  	s7 =	smul.u32 $0x500, s4;
	s4 =	sadd.s32 $0x69800, s6;
	s8 =	sadd.s32 s8, s9  }
0xa: {  	s9 =	ssub.s32 s10, s30;
	s31 =	sshrl.u32 s11, $0x2;
	s10 =	simm.s32 $0x2  }
0xb: {  	s11 =	simm.s32 $0x2800;
	s8 =	sadd.s32 s8, s6;
	s13 =	sadd.s32 s31, s2  }
0xc: {  	s9 =	smax.u32 s9, $0x1;
	s7 =	sadd.s32 s7, s6;
	s8 =	sadd.s32 $0x94000, s8  }
0xd: {  	s13 =	sshrl.u32 s13, $0x3;
	s6 =	sadd.s32 $0x5800, s7;
	s7 =	sadd.s32 $0xF800, s7  }
.LBB2_1:
0xe: {  	[tilespmem:s3], [sflag:$0x2] =	stream.linear.gather [hbm4b:s6+s3], $0x2800, $0x38;
	[tilespmem:$0x1D000] =	vst v63  }
0xf: {  	_ =	swait.ge [sflag:s10], $0x2800  }
0x10: {  	[sflag:s10] =	ssyncset.done $0x0  }
0x11: {  	[sflag:s10] =	ssyncadd.s32 $0xFFFFD800  }
0x12: {  	[tilespmem:s11], [sflag:$0x2] =	stream.linear.gather [hbm4b:s7+s3], $0x2800, $0x38;
	[tilespmem:$0x1D000] =	vst v63  }
0x13: {  	_ =	swait.ge [sflag:s10], $0x2800  }
0x14: {  	[sflag:s10] =	ssyncset.done $0x0  }
0x15: {  	[sflag:s10] =	ssyncadd.s32 $0xFFFFD800  }
0x16: {  	[spmem:s13], [sflag:s12] =	dma.local [hbm:s5], $0x2800  }
0x17: {  	_ =	swait.ge [sflag:s10], $0x2800  }
0x18: {  	[sflag:s10] =	ssyncset.done $0x0  }
0x19: {  	[sflag:s10] =	ssyncadd.s32 $0xFFFFD800  }
0x1a: {  	s18 =	simm.s32 $0x0;
	[bflag:$0x0] =	sbarrier.arrive $0xFFFF  }
0x1b: {  	[tilespmem:s15], [sflag:$0x1] =	stream.indirect.gather [hbm4b:s4+s14], $0x80, s18, s14, $0xb8;
	[tilespmem:$0x1D000] =	vst v63  }
0x1c: {  	_ =	swait.ge [sflag:s16], $0x4000  }
0x1d: {  	[sflag:s16] =	ssyncset.done $0x0  }
0x1e: {  	s31 =	simm.s32 $0x2800;
	[sflag:s16] =	ssyncadd.s32 $0xFFFFC000  }
0x1f: {  	[spmem:s2] =	stream.indirect.scatter.add.f32 [tilespmem:s15], [sflag:$0x2], $0x80, s31, s14, $0xb8;
	[tilespmem:$0x1D000] =	vst v63  }
0x20: {  	_ =	swait.ge [sflag:s10], $0x4000  }
0x21: {  	s19 =	simm.s32 $0x400;
	s18 =	simm.s32 $0x200;
	[sflag:s10] =	ssyncset.done $0x0  }
.LBB2_2:
0x22: {  	s20 =	sshra.s32 s18, $0x2  }
0x23: {  	[sflag:s10] =	ssyncadd.s32 $0xFFFFC000;
	s18 =	smov.u32 s19;
	s21 =	sadd.s32 $0x200, s19  }
0x24: {  	[tilespmem:s15], [sflag:$0x1] =	stream.indirect.gather [hbm4b:s4+s14], $0x80, s20, s14, $0xb8;
	[tilespmem:$0x1D000] =	vst v63  }
0x25: {  	p0 =	sne.s32 s19, $0x9E00;
	_ =	swait.ge [sflag:s16], $0x4000  }
.Ltmp0:
0x26: {  	[sflag:s16] =	ssyncset.done $0x0;
	(pc) =	sbr.rel @p0 .LBB2_2-.Ltmp0, $4  }
0x27: {  	s19 =	sadd.s32 $0x2800, s20;
	[sflag:s16] =	ssyncadd.s32 $0xFFFFC000  }
0x28: {  	[spmem:s2] =	stream.indirect.scatter.add.f32 [tilespmem:s15], [sflag:$0x2], $0x80, s19, s14, $0xb8;
	[tilespmem:$0x1D000] =	vst v63  }
0x29: {  	_ =	swait.ge [sflag:s10], $0x4000  }
0x2a: {  	s19 =	smov.u32 s21;
	[sflag:s10] =	ssyncset.done $0x0  }
0x2b: {  	s18 =	sshra.s32 s18, $0x2;
	[sflag:s10] =	ssyncadd.s32 $0xFFFFC000  }
0x2c: {  	[tilespmem:s15], [sflag:$0x1] =	stream.indirect.gather [hbm4b:s4+s14], $0x80, s18, s14, $0xb8;
	[tilespmem:$0x1D000] =	vst v63  }
0x2d: {  	_ =	swait.ge [sflag:s16], $0x4000  }
0x2e: {  	[sflag:s16] =	ssyncset.done $0x0  }
0x2f: {  	s18 =	sadd.s32 $0x2800, s18;
	[sflag:s16] =	ssyncadd.s32 $0xFFFFC000  }
0x30: {  	[spmem:s2] =	stream.indirect.scatter.add.f32 [tilespmem:s15], [sflag:$0x2], $0x80, s18, s14, $0xb8;
	[tilespmem:$0x1D000] =	vst v63  }
0x31: {  	_ =	swait.ge [sflag:s10], $0x4000  }
0x32: {  	s17 =	sadd.s32 $0x1, s17;
	[sflag:s10] =	ssyncset.done $0x0  }
0x33: {  	p0 =	sne.s32 s17, s9;
	[sflag:s10] =	ssyncadd.s32 $0xFFFFC000  }
.Ltmp1:
0x34: {  	[bflag:$0x0] =	sbarrier.arrive $0xFFFF;
	(pc) =	sbr.rel @p0 .LBB2_1-.Ltmp1, $4  }
0x35: {  	[hbm:s8], [sflag:s12] =	dma.local [spmem:s13], $0x2800  }
0x36: {  	_ =	swait.ge [sflag:s10], $0x2800  }
0x37: {  	[sflag:s10] =	ssyncset.done $0x0  }
0x38: {  	[sflag:s10] =	ssyncadd.s32 $0xFFFFD800  }
0x39: {  	_ =	sfence.sel $0x180000  }
0x3a: {  	[bflag:$0x0] =	sbarrier.arrive $0xFFFF  }
0x3b: {  	p0 =	sne.s32 s0, $0x0;
	_ =	strace $0x9000004A  }
0x3c: {  	s0 =	sadd.s32 @!p0 $0x100000, s1;
	[bflag:$0x2] =	sbarrier.arrive $0xFFFF  }
0x3d: {  	[sflag:s0] =	ssyncadd.tile.s32 @!p0 $0x1;
	_ =	shalt  }
.Lfunc_end2:
_tile_overlayer_lowered:
.L_overlay_start_2:
0x3e: {  	(tag) =	ssettag $0x2  }
0x3f: {  	s0 =	rddreg [dreg:$0x0];
	s2 =	stileid.u32  }
0x40: {  	s1 =	rddreg [dreg:$0x1];
	p0 =	sne.s32 s2, $0x0  }
0x41: {  	s3 =	rddreg [dreg:$0x2];
	[bflag:$0x3] =	sbarrier.arrive $0xFFFF;
	s2 =	simm.s32 @!p0 $0x1C02  }
0x42: {  	[timem:s3], [sflag:s2] =	dma.local @!p0 [hbm:s0], s1  }
0x43: {  	s0 =	simm.s32 @!p0 $0x2  }
0x44: {  	_ =	swait.ge @!p0 [sflag:s0], s1  }
0x45: {  	s1 =	ssub.s32 @!p0 $0x0, s1;
	[sflag:s0] =	ssyncset.done @!p0 $0x0  }
0x46: {  	[sflag:s0] =	ssyncadd.s32 @!p0 s1  }
0x47: {  	[bflag:$0x3] =	sbarrier.arrive $0xFFFF  }
0x48: {  	_ =	shalt  }

// kernel: kernel.16.cloned.1.call-start
scs
__scs_entry_jumppad:
0x0: {  	(pc) =	sbr.rel $0x88, $3  }
0x1: {  	(tag) =	ssettag $0x0;
	lr =	simm.s32 $0x1  }
0x2: {  	[smem:$0x3F96] =	sst lr;
	_ =	strace $0xD0000000  }
0x3: {  	_ = 	snop  }
0x4: {  	_ = 	snop  }
0x5: {  	_ = 	snop  }
0x6: {  	_ = 	snop  }
0x7: {  	_ = 	snop  }
__scs_overlays_trampoline_lowered:
0x8: {  	[smem:$0x3FA5] =	sst s0  }
0x9: {  	[smem:$0x3FA6] =	sst s1  }
0xa: {  	[smem:$0x3FA7] =	sst s2  }
0xb: {  	[smem:$0x3FA8] =	sst s3  }
0xc: {  	[smem:$0x3FA9] =	sst s4  }
0xd: {  	[smem:$0x3FAA] =	sst s5  }
0xe: {  	[smem:$0x3FAB] =	sst s6  }
0xf: {  	[smem:$0x3FAC] =	sst s7  }
0x10: {  	[smem:$0x3FAD] =	sst s8  }
0x11: {  	[smem:$0x3FAE] =	sst s9;
	s0 =	simm.s32 @!p0 $0x0  }
0x12: {  	s1 =	sld [smem:$0x3F94];
	s0 =	simm.s32 @p0 $0x1  }
0x13: {  	[smem:$0x3FAF] =	sst s0;
	s0 =	simm.s32 @!p1 $0x0  }
0x14: {  	s2 =	sld [smem:$0x3F93];
	s0 =	simm.s32 @p1 $0x1  }
0x15: {  	[smem:$0x3FB0] =	sst s0;
	s0 =	simm.s32 @!p2 $0x0  }
0x16: {  	s3 =	sld [smem:$0x3FDB];
	s0 =	simm.s32 @p2 $0x1  }
0x17: {  	s4 =	simm.s32 $0x1BF5;
	[smem:$0x3FB2] =	sst s0  }
0x18: {  	s0 =	sld [smem:$0x3F95];
	_ =	swait.ge [sflag:s4], $0x0  }
0x19: {  	s7 =	sld [smem:$0x3F96]  }
0x1a: {  	s8 =	sadd.s32 $0xFFFFE003, lr  }
0x1b: {  	s9 =	sadd.s32 $0xFFFFFEF7, lr;
	s5 =	simm.s32 $0xFFFFFFFF;
	p2 =	slt.u32 s8, $0xFFFFF086  }
0x1c: {  	p1 =	slt.u32 s9, $0xF7A;
	s5 =	simm.s32 @!p2 $0x0  }
0x1d: {  	s5 =	simm.s32 @p1 $0x1;
	p0 =	seq.s32 s7, s2  }
0x1e: {  	s7 =	smul.u32 @!p0 $0xF7A, s2;
	p2 =	seq.s32 @!p0 s5, $0x0  }
0x1f: {  	s9 =	smul.u32 $0xF7A, s1;
	s8 =	simm.s32 @!p0 $0x1BF5;
	p2 =	por !p2, p0  }
0x20: {  	[sflag:s8] =	ssyncset.s32 @!p0 $0xFFFFF086;
	s6 =	sadd.s32 @!p0 s3, s7;
	s7 =	simm.s32 @!p0 $0x108  }
0x21: {  	s3 =	sadd.s32 s3, s9;
	s6 =	sadd.s32 @!p0 $0x88, s6;
	s7 =	simm.s32 @p2 $0x1082  }
0x22: {  	[simem:s7], [sflag:s8] =	dma.local @!p0 [hbm:s6], $0xF7A  }
0x23: {  	s9 =	sor.u32 $0xD0000000, s2;
	s6 =	simm.s32 $0x108;
	_ =	swait.ge @!p0 [sflag:s8], $0x0  }
0x24: {  	s3 =	sadd.s32 $0x88, s3;
	s6 =	simm.s32 @!p1 $0x1082;
	[sflag:s4] =	ssyncset.s32 $0xFFFFF086  }
0x25: {  	[simem:s6], [sflag:s4] =	dma.local [hbm:s3], $0xF7A  }
0x26: {  	[smem:$0x3F96] =	sst s1;
	(tag) =	ssettag s2;
	_ =	strace s9  }
0x27: {  	s1 =	sld [smem:$0x3FA6]  }
0x28: {  	s2 =	sld [smem:$0x3FA7]  }
0x29: {  	s4 =	sld [smem:$0x3FA9]  }
0x2a: {  	p0 =	seq.s32 s5, $0x0;
	s5 =	sld [smem:$0x3FAA]  }
0x2b: {  	s6 =	sld [smem:$0x3FAB]  }
0x2c: {  	s7 =	sld [smem:$0x3FAC]  }
0x2d: {  	s3 =	simm.s32 $0x108;
	s8 =	sld [smem:$0x3FAD]  }
0x2e: {  	s3 =	simm.s32 @!p0 $0x1082;
	s9 =	sld [smem:$0x3FAE]  }
0x2f: {  	lr =	sadd.s32 s0, s3;
	s0 =	sld [smem:$0x3FA5]  }
0x30: {  	s3 =	sld [smem:$0x3FA8]  }
0x31: {  	[smem:$0x3FB1] =	sst s10  }
0x32: {  	s10 =	sld [smem:$0x3FAF];
	_ =	sdelay $0x3  }
0x33: {  	p0 =	seq.s32 s10, $0x1;
	s10 =	sld [smem:$0x3FB1];
	_ =	sdelay $0x3  }
0x34: {  	[smem:$0x3FB1] =	sst s10  }
0x35: {  	s10 =	sld [smem:$0x3FB0];
	_ =	sdelay $0x3  }
0x36: {  	p1 =	seq.s32 s10, $0x1;
	s10 =	sld [smem:$0x3FB1];
	_ =	sdelay $0x3  }
0x37: {  	[smem:$0x3FB1] =	sst s10  }
0x38: {  	s10 =	sld [smem:$0x3FB2]  }
0x39: {  	_ = 	snop;
	(pc) =	sbr.ind lr, $3  }
0x3a: {  	_ = 	snop  }
0x3b: {  	_ = 	snop  }
0x3c: {  	p2 =	seq.s32 s10, $0x1;
	s10 =	sld [smem:$0x3FB1]  }
0x3d: {  	_ =	shalt  }
0x3e: {  	_ =	shalt  }
0x3f: {  	_ =	shalt  }
0x40: {  	_ =	shalt  }
0x41: {  	_ =	shalt  }
0x42: {  	_ =	shalt  }
0x43: {  	_ =	shalt  }
0x44: {  	_ =	shalt  }
0x45: {  	_ =	shalt  }
0x46: {  	_ =	shalt  }
0x47: {  	_ =	shalt  }
0x48: {  	_ =	shalt  }
0x49: {  	_ =	shalt  }
0x4a: {  	_ =	shalt  }
0x4b: {  	_ =	shalt  }
0x4c: {  	_ =	shalt  }
0x4d: {  	_ =	shalt  }
0x4e: {  	_ =	shalt  }
0x4f: {  	_ =	shalt  }
0x50: {  	_ =	shalt  }
0x51: {  	_ =	shalt  }
0x52: {  	_ =	shalt  }
0x53: {  	_ =	shalt  }
0x54: {  	_ =	shalt  }
0x55: {  	_ =	shalt  }
0x56: {  	_ =	shalt  }
0x57: {  	_ =	shalt  }
0x58: {  	_ =	shalt  }
0x59: {  	_ =	shalt  }
0x5a: {  	_ =	shalt  }
0x5b: {  	_ =	shalt  }
0x5c: {  	_ =	shalt  }
0x5d: {  	_ =	shalt  }
0x5e: {  	_ =	shalt  }
0x5f: {  	_ =	shalt  }
0x60: {  	_ =	shalt  }
0x61: {  	_ =	shalt  }
0x62: {  	_ =	shalt  }
0x63: {  	_ =	shalt  }
0x64: {  	_ =	shalt  }
0x65: {  	_ =	shalt  }
0x66: {  	_ =	shalt  }
0x67: {  	_ =	shalt  }
0x68: {  	_ =	shalt  }
0x69: {  	_ =	shalt  }
0x6a: {  	_ =	shalt  }
0x6b: {  	_ =	shalt  }
0x6c: {  	_ =	shalt  }
0x6d: {  	_ =	shalt  }
0x6e: {  	_ =	shalt  }
0x6f: {  	_ =	shalt  }
0x70: {  	_ =	shalt  }
0x71: {  	_ =	shalt  }
0x72: {  	_ =	shalt  }
0x73: {  	_ =	shalt  }
0x74: {  	_ =	shalt  }
0x75: {  	_ =	shalt  }
0x76: {  	_ =	shalt  }
0x77: {  	_ =	shalt  }
0x78: {  	_ =	shalt  }
0x79: {  	_ =	shalt  }
0x7a: {  	_ =	shalt  }
0x7b: {  	_ =	shalt  }
0x7c: {  	_ =	shalt  }
0x7d: {  	_ =	shalt  }
0x7e: {  	_ =	shalt  }
0x7f: {  	_ =	shalt  }
0x80: {  	_ =	shalt  }
0x81: {  	_ =	shalt  }
0x82: {  	_ =	shalt  }
0x83: {  	_ =	shalt  }
0x84: {  	_ =	shalt  }
0x85: {  	_ =	shalt  }
0x86: {  	_ =	shalt  }
0x87: {  	_ =	shalt  }
.Lfunc_end0:
.L_simem_size_0:
called_computation.2_lowered:
.L_overlay_start_0:
0x88: {  	s2 =	sld [smem:$0x3FD9]  }
0x89: {  	s3 =	sld [smem:$0x3FFE];
	_ =	sdelay $0x1  }
0x8a: {  	s1 =	srdreg.scid  }
0x8b: {  	s0 =	sand.u32 $0x1, s1  }
0x8c: {  	s16 =	sshll.u32 s0, $0xA;
	s2 =	sadd.s32 s3, s2  }
0x8d: {  	s2 =	sadd.s32 s2, s16  }
0x8e: {  	[smem:$0x3FBD] =	sst s2  }
0x8f: {  	_ = 	snop  }
0x90: {  	(tm) =	ssettm $0x1  }
0x91: {  	s17 =	sld [smem:$0x3FFB];
	_ =	sdelay $0x3  }
0x92: {  	_ =	strace s17  }
0x93: {  	s2 =	sld [smem:$0x3FFC];
	_ =	sdelay $0x3  }
0x94: {  	_ =	strace s2  }
0x95: {  	s2 =	sld [smem:$0x3FFD];
	_ =	sdelay $0x3  }
0x96: {  	_ =	strace s2  }
0x97: {  	_ =	strace $0x8FFFFFFF  }
0x98: {  	s18 =	sld [smem:$0x3FDB];
	_ =	sdelay $0x1  }
0x99: {  	s19 =	simm.s32 $_scs_section_size  }
0x9a: {  	s4 =	simm.s32 $_size__tile_overlayer_lowered;
	s5 =	simm.s32 $_tile_overlayer_lowered  }
0x9b: {  	s22 =	simm.s32 $0x1BFF;
	s21 =	sshll.u32 s5, $0x1;
	s2 =	sadd.s32 s19, s18  }
0x9c: {  	s6 =	simm.s32 $0x0;
	s20 =	sshll.u32 s4, $0x1;
	s4 =	sadd.s32 s21, s2  }
0x9d: {  	[timem:s6], [sflag:s22] =	dma.local [hbm:s4], s20  }
0x9e: {  	_ =	swait.ge [sflag:s22], s20  }
0x9f: {  	s3 =	ssub.s32 $0x0, s20;
	[sflag:s22] =	ssyncset.done $0x0  }
0xa0: {  	[sflag:s22] =	ssyncadd.s32 s3;
	_ =	sdelay $0x1  }
0xa1: {  	s23 =	simm.s32 $0x1B8B  }
0xa2: {  	_ =	swait.ge [sflag:s23], $0x1  }
0xa3: {  	[sflag:s23] =	ssyncset.done $0x0  }
0xa4: {  	s25 =	simm.s32 $0x1B8E;
	s24 =	sld [smem:$0x3FFE];
	[sflag:s23] =	ssyncadd.s32 $0xFFFFFFFF  }
0xa5: {  	s26 =	simm.s32 $execute0_lowered;
	[smem:$0x3FD2] =	sst s25  }
0xa6: {  	s4 =	sshll.u32 s26, $0x1;
	_ =	strace $0x8000004C;
	[dreg:$0x1] =	wrdreg $0xFFFFFFFF  }
0xa7: {  	s28 =	simm.s32 $_size_execute0_lowered;
	s2 =	sadd.s32 s2, s4;
	[dreg:$0x0] =	wrdreg $0x0  }
0xa8: {  	s4 =	sshll.u32 s28, $0x1;
	[dreg:$0x2] =	wrdreg s2  }
0xa9: {  	[dreg:$0x3] =	wrdreg s4  }
0xaa: {  	[dreg:$0x4] =	wrdreg $0xC0  }
0xab: {  	_ =	task [dreg:s6], $0x5FFFF  }
0xac: {  	[dreg:$0x1] =	wrdreg $0xFFFFFFFF  }
0xad: {  	[dreg:$0x0] =	wrdreg $0x60  }
0xae: {  	[dreg:$0x2] =	wrdreg s24  }
0xaf: {  	[dreg:$0x3] =	wrdreg $0x90000  }
0xb0: {  	[dreg:$0x4] =	wrdreg $0x9  }
0xb1: {  	_ =	task.clear_ibuf [dreg:s6], $0x5FFFF;
	_ =	strace $0x9000004C  }
0xb2: {  	s29 =	simm.s32 $0x9;
	_ =	strace $0x8000004E  }
0xb3: {  	_ =	swait.ge [sflag:s29], $0x1  }
0xb4: {  	[sflag:s29] =	ssyncadd.s32 $0xFFFFFFFF  }
0xb5: {  	_ =	strace $0x9000004E  }
0xb6: {  	_ =	sfence  }
0xb7: {  	s30 =	sld [smem:$0x0];
	_ =	sdelay $0x2  }
0xb8: {  	s31 =	sshll.u32 s1, $0xD;
	s1 =	sshrl.u32 s1, $0x2  }
0xb9: {  	s3 =	sand.u32 $0x4000, s31;
	s1 =	sadd.s32 s1, s30  }
0xba: {  	s0 =	sor.u32 s3, s0;
	s1 =	sshll.u32 s1, $0x11  }
0xbb: {  	s0 =	sor.u32 s1, s0  }
0xbc: {  	s0 =	sadd.s32 $0x8F2B, s0  }
0xbd: {  	[sflag:s0] =	ssyncadd.remote.s32 $0x1  }
0xbe: {  	_ =	sfence.sel $0xFFFF  }
0xbf: {  	[dreg:$0x0] =	wrdreg $0xFFFFFFFF;
	(pc) =	sbr.abs _section_cstart, $3  }
0xc0: {  	[dreg:$0x1] =	wrdreg $0xFFFFFFFF  }
0xc1: {  	_ =	task.clear_ibuf [dreg:s6], $0x2FFFF;
	_ =	strace $0x9FFFFFFF  }
0xc2: {  	(tm) =	ssettm $0x7FFFFFFF  }
0xc3: {  	_ =	shalt  }
tec
execute0_lowered:
.L_overlay_start_1:
0x0: {  	(tag) =	ssettag $0x1  }
0x1: {  	s0 =	srdreg.scid;
	s6 =	rddreg [dreg:$0x0]  }
0x2: {  	s2 =	rddreg [dreg:$0x1];
	s3 =	simm.s32 $0x0;
	s14 =	simm.s32 $0x80  }
0x3: {  	s15 =	simm.s32 $0x5000;
	s5 =	sand.u32 $0x1, s0;
	s0 =	stileid.u32  }
0x4: {  	s16 =	simm.s32 $0x1;
	s17 =	simm.s32 $0x0;
	s8 =	smul.u32 $0x2800, s0  }
0x5: {  	[smem:$0x7FF] =	sst s3;
	s1 =	sshll.u32 s5, $0x4;
	s9 =	smul.u32 $0x28000, s5  }
0x6: {  	s10 =	ssub.s32 $0x2, s5;
	s11 =	smul.u32 $0x50000, s0;
	s5 =	sadd.s32 $0x91800, s6  }
0x7: {  	s12 =	sshll.u32 s0, $0x6;
	s4 =	sor.u32 s0, s1;
	s1 =	rddreg [dreg:$0x2]  }
0x8: {  	_ =	strace $0x8000004D;
	s30 =	sshrl.u32 s10, $0x1;
	s12 =	sor.u32 $0x1C02, s12  }
0x9: {  	s7 =	smul.u32 $0x500, s4;
	s4 =	sadd.s32 $0x69800, s6;
	s8 =	sadd.s32 s8, s9  }
0xa: {  	s9 =	ssub.s32 s10, s30;
	s31 =	sshrl.u32 s11, $0x2;
	s10 =	simm.s32 $0x2  }
0xb: {  	s11 =	simm.s32 $0x2800;
	s8 =	sadd.s32 s8, s6;
	s13 =	sadd.s32 s31, s2  }
0xc: {  	s9 =	smax.u32 s9, $0x1;
	s7 =	sadd.s32 s7, s6;
	s8 =	sadd.s32 $0x94000, s8  }
0xd: {  	s13 =	sshrl.u32 s13, $0x3;
	s6 =	sadd.s32 $0x5800, s7;
	s7 =	sadd.s32 $0xF800, s7  }
.LBB2_1:
0xe: {  	[tilespmem:s3], [sflag:$0x2] =	stream.linear.gather [hbm4b:s6+s3], $0x2800, $0x38;
	[tilespmem:$0x1D000] =	vst v63  }
0xf: {  	_ =	swait.ge [sflag:s10], $0x2800  }
0x10: {  	[sflag:s10] =	ssyncset.done $0x0  }
0x11: {  	[sflag:s10] =	ssyncadd.s32 $0xFFFFD800  }
0x12: {  	[tilespmem:s11], [sflag:$0x2] =	stream.linear.gather [hbm4b:s7+s3], $0x2800, $0x38;
	[tilespmem:$0x1D000] =	vst v63  }
0x13: {  	_ =	swait.ge [sflag:s10], $0x2800  }
0x14: {  	[sflag:s10] =	ssyncset.done $0x0  }
0x15: {  	[sflag:s10] =	ssyncadd.s32 $0xFFFFD800  }
0x16: {  	[spmem:s13], [sflag:s12] =	dma.local [hbm:s5], $0x2800  }
0x17: {  	_ =	swait.ge [sflag:s10], $0x2800  }
0x18: {  	[sflag:s10] =	ssyncset.done $0x0  }
0x19: {  	[sflag:s10] =	ssyncadd.s32 $0xFFFFD800  }
0x1a: {  	s18 =	simm.s32 $0x0;
	[bflag:$0x0] =	sbarrier.arrive $0xFFFF  }
0x1b: {  	[tilespmem:s15], [sflag:$0x1] =	stream.indirect.gather [hbm4b:s4+s14], $0x80, s18, s14, $0xb8;
	[tilespmem:$0x1D000] =	vst v63  }
0x1c: {  	_ =	swait.ge [sflag:s16], $0x4000  }
0x1d: {  	[sflag:s16] =	ssyncset.done $0x0  }
0x1e: {  	s31 =	simm.s32 $0x2800;
	[sflag:s16] =	ssyncadd.s32 $0xFFFFC000  }
0x1f: {  	[spmem:s2] =	stream.indirect.scatter.add.f32 [tilespmem:s15], [sflag:$0x2], $0x80, s31, s14, $0xb8;
	[tilespmem:$0x1D000] =	vst v63  }
0x20: {  	_ =	swait.ge [sflag:s10], $0x4000  }
0x21: {  	s19 =	simm.s32 $0x400;
	s18 =	simm.s32 $0x200;
	[sflag:s10] =	ssyncset.done $0x0  }
.LBB2_2:
0x22: {  	s20 =	sshra.s32 s18, $0x2  }
0x23: {  	[sflag:s10] =	ssyncadd.s32 $0xFFFFC000;
	s18 =	smov.u32 s19;
	s21 =	sadd.s32 $0x200, s19  }
0x24: {  	[tilespmem:s15], [sflag:$0x1] =	stream.indirect.gather [hbm4b:s4+s14], $0x80, s20, s14, $0xb8;
	[tilespmem:$0x1D000] =	vst v63  }
0x25: {  	p0 =	sne.s32 s19, $0x9E00;
	_ =	swait.ge [sflag:s16], $0x4000  }
.Ltmp0:
0x26: {  	[sflag:s16] =	ssyncset.done $0x0;
	(pc) =	sbr.rel @p0 .LBB2_2-.Ltmp0, $4  }
0x27: {  	s19 =	sadd.s32 $0x2800, s20;
	[sflag:s16] =	ssyncadd.s32 $0xFFFFC000  }
0x28: {  	[spmem:s2] =	stream.indirect.scatter.add.f32 [tilespmem:s15], [sflag:$0x2], $0x80, s19, s14, $0xb8;
	[tilespmem:$0x1D000] =	vst v63  }
0x29: {  	_ =	swait.ge [sflag:s10], $0x4000  }
0x2a: {  	s19 =	smov.u32 s21;
	[sflag:s10] =	ssyncset.done $0x0  }
0x2b: {  	s18 =	sshra.s32 s18, $0x2;
	[sflag:s10] =	ssyncadd.s32 $0xFFFFC000  }
0x2c: {  	[tilespmem:s15], [sflag:$0x1] =	stream.indirect.gather [hbm4b:s4+s14], $0x80, s18, s14, $0xb8;
	[tilespmem:$0x1D000] =	vst v63  }
0x2d: {  	_ =	swait.ge [sflag:s16], $0x4000  }
0x2e: {  	[sflag:s16] =	ssyncset.done $0x0  }
0x2f: {  	s18 =	sadd.s32 $0x2800, s18;
	[sflag:s16] =	ssyncadd.s32 $0xFFFFC000  }
0x30: {  	[spmem:s2] =	stream.indirect.scatter.add.f32 [tilespmem:s15], [sflag:$0x2], $0x80, s18, s14, $0xb8;
	[tilespmem:$0x1D000] =	vst v63  }
0x31: {  	_ =	swait.ge [sflag:s10], $0x4000  }
0x32: {  	s17 =	sadd.s32 $0x1, s17;
	[sflag:s10] =	ssyncset.done $0x0  }
0x33: {  	p0 =	sne.s32 s17, s9;
	[sflag:s10] =	ssyncadd.s32 $0xFFFFC000  }
.Ltmp1:
0x34: {  	[bflag:$0x0] =	sbarrier.arrive $0xFFFF;
	(pc) =	sbr.rel @p0 .LBB2_1-.Ltmp1, $4  }
0x35: {  	[hbm:s8], [sflag:s12] =	dma.local [spmem:s13], $0x2800  }
0x36: {  	_ =	swait.ge [sflag:s10], $0x2800  }
0x37: {  	[sflag:s10] =	ssyncset.done $0x0  }
0x38: {  	[sflag:s10] =	ssyncadd.s32 $0xFFFFD800  }
0x39: {  	_ =	sfence.sel $0x180000  }
0x3a: {  	[bflag:$0x0] =	sbarrier.arrive $0xFFFF  }
0x3b: {  	p0 =	sne.s32 s0, $0x0;
	_ =	strace $0x9000004D  }
0x3c: {  	s0 =	sadd.s32 @!p0 $0x100000, s1;
	[bflag:$0x2] =	sbarrier.arrive $0xFFFF  }
0x3d: {  	[sflag:s0] =	ssyncadd.tile.s32 @!p0 $0x1;
	_ =	shalt  }
.Lfunc_end2:
_tile_overlayer_lowered:
.L_overlay_start_2:
0x3e: {  	(tag) =	ssettag $0x2  }
0x3f: {  	s0 =	rddreg [dreg:$0x0];
	s2 =	stileid.u32  }
0x40: {  	s1 =	rddreg [dreg:$0x1];
	p0 =	sne.s32 s2, $0x0  }
0x41: {  	s3 =	rddreg [dreg:$0x2];
	[bflag:$0x3] =	sbarrier.arrive $0xFFFF;
	s2 =	simm.s32 @!p0 $0x1C02  }
0x42: {  	[timem:s3], [sflag:s2] =	dma.local @!p0 [hbm:s0], s1  }
0x43: {  	s0 =	simm.s32 @!p0 $0x2  }
0x44: {  	_ =	swait.ge @!p0 [sflag:s0], s1  }
0x45: {  	s1 =	ssub.s32 @!p0 $0x0, s1;
	[sflag:s0] =	ssyncset.done @!p0 $0x0  }
0x46: {  	[sflag:s0] =	ssyncadd.s32 @!p0 s1  }
0x47: {  	[bflag:$0x3] =	sbarrier.arrive $0xFFFF  }
0x48: {  	_ =	shalt  }

</sc_bundles>
